<compile_context>
chip_gen: v7x
topology: tpu7x:2x2x1
jax: 0.10.2.dev20260603
libtpu: 0.0.44.dev20260713+nightly
codegen_flags: <defaults>
</compile_context>

<pallas_src>
import jax
import jax.numpy as jnp
from jax.experimental import pallas as pl
from jax.experimental.pallas import tpu as pltpu
from jax.experimental.pallas import tpu_sc as plsc

_C = 4
_L = 16


def _sc_body_factory(B, C, D):
    UNROLL = 8

    def body(pos_v, x_v, o_v):
        @pl.loop(0, C)
        def _(r):
            @pl.loop(0, D, step=_L * UNROLL)
            def _(j):
                for u in range(UNROLL):
                    c = pl.ds(j + u * _L, _L)
                    p = pos_v.at[r, c][...]
                    for b in range(B):
                        o_v.at[b, r, c][...] = x_v.at[b, r, c][...] + p
    return body


@jax.jit
def kernel(x, token_embedding):
    B, N, D = x.shape
    mesh = plsc.VectorSubcoreMesh(core_axis_name="c", subcore_axis_name="s")

    @pl.kernel(out_type=jax.ShapeDtypeStruct((B, N, D), x.dtype), mesh=mesh)
    def sc_add(pos_hbm, x_hbm, o_hbm):
        pltpu.emit_pipeline(
            _sc_body_factory(B, _C, D),
            grid=(N // _C,),
            in_specs=[
                pl.BlockSpec((_C, D), index_map=lambda i: (i, 0)),
                pl.BlockSpec((B, _C, D), index_map=lambda i: (0, i, 0)),
            ],
            out_specs=[pl.BlockSpec((B, _C, D), index_map=lambda i: (0, i, 0))],
            core_axis_name=("c", "s"),
            dimension_semantics=(pltpu.PARALLEL,),
        )(pos_hbm, x_hbm, o_hbm)

    return sc_add(token_embedding, x)

# --- scband reference (transcript-rebuilt; emitter-appended) ---
"""Pipeline reference for scband-token-positional-encoder-35940286333137 (READ-ONLY COPY).

The authoritative reference and input builder live on the scoring server;
editing this copy changes nothing except your own understanding.
"""

import jax, jax.numpy as jnp
import numpy as np
import math

SEQUENCE_LENGTH = 4096
DIM = 1024
BATCH = 4
N = 4096


def setup_inputs(seed: int = 0) -> dict:
    key = jax.random.key(seed)
    k1, k2 = jax.random.split(key)
    x = jax.random.normal(k1, (BATCH, N, DIM), dtype=jnp.float32)
    # nn.init.kaiming_uniform_(weight, a=sqrt(5)) on an Embedding weight of shape
    # [sequence_length, dim]: fan_in = dim, gain = sqrt(2/(1+a^2)) = sqrt(1/3),
    # bound = gain * sqrt(3/fan_in) = 1/sqrt(fan_in)
    bound = 1.0 / math.sqrt(DIM)
    token_embedding = jax.random.uniform(
        k2, (SEQUENCE_LENGTH, DIM), dtype=jnp.float32, minval=-bound, maxval=bound
    )
    return {"x": x, "token_embedding": token_embedding}


def reference(x, token_embedding):
    N_ = x.shape[1]
    i = jnp.arange(N_)
    pos = jnp.take(token_embedding, i, axis=0)  # [N, dim] embedding gather
    pos = jnp.broadcast_to(pos[None, :, :], (x.shape[0], N_, x.shape[2]))
    return x + pos

if __name__ == "__main__":
    import jax
    _d = setup_inputs()
    print(jax.jit(kernel)(*tuple(_d.values())))

</pallas_src>

<mosaic_0001>
#map = affine_map<(d0, d1) -> (0, 0)>
#map1 = affine_map<(d0, d1) -> (0, 0, 0)>
module attributes {stable_mosaic.version = 14 : i64} {
  func.func @sc_add(%arg0: i32, %arg1: i32, %arg2: memref<4096x1024xf32, #tpu.memory_space<hbm>>, %arg3: memref<4x4096x1024xf32, #tpu.memory_space<hbm>>, %arg4: memref<4x4096x1024xf32, #tpu.memory_space<hbm>>) attributes {dimension_semantics = [#tpu.dimension_semantics<core_parallel>, #tpu.dimension_semantics<subcore_parallel>], iteration_bounds = array<i64: 2, 16>, scalar_prefetch = 0 : i64, scratch_operands = 0 : i64, tpu.core_type = #tpu.core_type<sc_vector_subcore>, window_params = [{transform_indices = #map}, {transform_indices = #map1}, {transform_indices = #map1}]} {
    %mul3A = arith.constant 1 : i32
    %mul3A_0 = arith.muli %arg1, %mul3A : i32
    %add3A = arith.constant 0 : i32
    %add3A_1 = arith.addi %add3A, %mul3A_0 : i32
    %mul3A_2 = arith.constant 16 : i32
    %mul3A_3 = arith.muli %arg0, %mul3A_2 : i32
    %add3A_4 = arith.addi %add3A_1, %mul3A_3 : i32
    %mul3A_5 = arith.constant 32 : i32
    %mul3A_6 = arith.muli %add3A_4, %mul3A_5 : i32
    "tpu.region"() ({
      %run_scoped3A = memref.alloca() : memref<2x4x1024xf32, #tpu.memory_space<vmem>>
      %run_scoped3A_7 = tpu.sem_alloc : memref<2x!tpu.dma_semaphore, #tpu.memory_space<semaphore_mem>>
      %run_scoped3A_8 = memref.alloca() : memref<2x4x4x1024xf32, #tpu.memory_space<vmem>>
      %run_scoped3A_9 = tpu.sem_alloc : memref<2x!tpu.dma_semaphore, #tpu.memory_space<semaphore_mem>>
      %run_scoped3A_10 = memref.alloca() : memref<2x4x4x1024xf32, #tpu.memory_space<vmem>>
      %run_scoped3A_11 = tpu.sem_alloc : memref<2x!tpu.dma_semaphore, #tpu.memory_space<semaphore_mem>>
      %add3A_12 = arith.constant 0 : i32
      %add3A_13 = arith.addi %add3A_12, %mul3A_6 : i32
      %select_n3A = arith.constant true
      %select_n3A_14 = arith.constant 0 : i32
      %select_n3A_15 = arith.constant -1 : i32
      %select_n3A_16 = arith.select %select_n3A, %select_n3A_15, %select_n3A_14 : i32
      %eq3A = arith.constant -1 : i32
      %eq3A_17 = arith.cmpi eq, %select_n3A_16, %eq3A : i32
      %select_n3A_18 = arith.constant 31 : i32
      %select_n3A_19 = arith.select %eq3A_17, %select_n3A_18, %select_n3A_16 : i32
      %add3A_20 = arith.addi %select_n3A_19, %mul3A_6 : i32
      %select_n3A_21 = arith.constant true
      %select_n3A_22 = arith.constant 0 : i32
      %select_n3A_23 = arith.constant 1 : i32
      %select_n3A_24 = arith.select %select_n3A_21, %select_n3A_23, %select_n3A_22 : i32
      %eq3A_25 = arith.constant 32 : i32
      %eq3A_26 = arith.cmpi eq, %select_n3A_24, %eq3A_25 : i32
      %select_n3A_27 = arith.constant 0 : i32
      %select_n3A_28 = arith.select %eq3A_26, %select_n3A_27, %select_n3A_24 : i32
      %add3A_29 = arith.addi %select_n3A_28, %mul3A_6 : i32
      %add3A_30 = arith.constant 1 : i32
      %add3A_31 = arith.addi %select_n3A_28, %add3A_30 : i32
      %select_n3A_32 = arith.constant true
      %select_n3A_33 = arith.select %select_n3A_32, %add3A_31, %select_n3A_28 : i32
      %eq3A_34 = arith.constant 32 : i32
      %eq3A_35 = arith.cmpi eq, %select_n3A_33, %eq3A_34 : i32
      %select_n3A_36 = arith.constant 0 : i32
      %select_n3A_37 = arith.select %eq3A_35, %select_n3A_36, %select_n3A_33 : i32
      %add3A_38 = arith.addi %select_n3A_37, %mul3A_6 : i32
      "tpu.trace_start"() <{level = 10 : i32, message = "ep_initialize_0"}> : () -> ()
      %rem3A = arith.constant 0 : i32
      %rem3A_39 = arith.constant 2 : i32
      %rem3A_40 = arith.remui %rem3A, %rem3A_39 : i32
      %mul3A_41 = arith.constant 4 : i32
      %mul3A_42 = arith.muli %mul3A_41, %add3A_13 : i32
      %dma_start3A = arith.constant 0 : i32
      %dma_start3A_43 = arith.constant 0 : i32
      %dma_start3A_44 = tpu.memref_slice %run_scoped3A[%rem3A_40, %dma_start3A, %dma_start3A_43] : memref<2x4x1024xf32, #tpu.memory_space<vmem>> -> memref<1x4x1024xf32, #tpu.memory_space<vmem>>
      %dma_start3A_45 = tpu.memref_squeeze %dma_start3A_44 : memref<1x4x1024xf32, #tpu.memory_space<vmem>> -> memref<4x1024xf32, #tpu.memory_space<vmem>>
      %dma_start3A_46 = arith.constant 0 : i32
      %dma_start3A_47 = tpu.memref_slice %arg2[%mul3A_42, %dma_start3A_46] : memref<4096x1024xf32, #tpu.memory_space<hbm>> -> memref<4x1024xf32, #tpu.memory_space<hbm>>
      %dma_start3A_48 = tpu.memref_slice %run_scoped3A_7[%rem3A_40] : memref<2x!tpu.dma_semaphore, #tpu.memory_space<semaphore_mem>> -> memref<1x!tpu.dma_semaphore, #tpu.memory_space<semaphore_mem>>
      %dma_start3A_49 = tpu.memref_squeeze %dma_start3A_48 : memref<1x!tpu.dma_semaphore, #tpu.memory_space<semaphore_mem>> -> memref<!tpu.dma_semaphore, #tpu.memory_space<semaphore_mem>>
      %dma_start3A_50 = arith.constant 0 : i32
      %dma_start3A_51 = arith.constant 0 : i32
      %dma_start3A_52 = tpu.memref_slice %run_scoped3A[%rem3A_40, %dma_start3A_50, %dma_start3A_51] : memref<2x4x1024xf32, #tpu.memory_space<vmem>> -> memref<1x4x1024xf32, #tpu.memory_space<vmem>>
      %dma_start3A_53 = tpu.memref_squeeze %dma_start3A_52 : memref<1x4x1024xf32, #tpu.memory_space<vmem>> -> memref<4x1024xf32, #tpu.memory_space<vmem>>
      %dma_start3A_54 = arith.constant 0 : i32
      %dma_start3A_55 = tpu.memref_slice %arg2[%mul3A_42, %dma_start3A_54] : memref<4096x1024xf32, #tpu.memory_space<hbm>> -> memref<4x1024xf32, #tpu.memory_space<hbm>>
      tpu.enqueue_dma source(%dma_start3A_55 : memref<4x1024xf32, #tpu.memory_space<hbm>>) target(%dma_start3A_53 : memref<4x1024xf32, #tpu.memory_space<vmem>>) target_semaphore(%dma_start3A_49 : memref<!tpu.dma_semaphore, #tpu.memory_space<semaphore_mem>>)
      %add3A_56 = arith.constant 0 : i32
      %add3A_57 = arith.constant 1 : i32
      %add3A_58 = arith.addi %add3A_56, %add3A_57 : i32
      %select_n3A_59 = arith.constant true
      %select_n3A_60 = arith.constant 0 : i32
      %select_n3A_61 = arith.select %select_n3A_59, %add3A_58, %select_n3A_60 : i32
      %rem3A_62 = arith.constant 0 : i32
      %rem3A_63 = arith.constant 2 : i32
      %rem3A_64 = arith.remui %rem3A_62, %rem3A_63 : i32
      %mul3A_65 = arith.constant 4 : i32
      %mul3A_66 = arith.muli %mul3A_65, %add3A_13 : i32
      %dma_start3A_67 = arith.constant 0 : i32
      %dma_start3A_68 = arith.constant 0 : i32
      %dma_start3A_69 = arith.constant 0 : i32
      %dma_start3A_70 = tpu.memref_slice %run_scoped3A_8[%rem3A_64, %dma_start3A_67, %dma_start3A_68, %dma_start3A_69] : memref<2x4x4x1024xf32, #tpu.memory_space<vmem>> -> memref<1x4x4x1024xf32, #tpu.memory_space<vmem>>
      %dma_start3A_71 = tpu.memref_squeeze %dma_start3A_70 : memref<1x4x4x1024xf32, #tpu.memory_space<vmem>> -> memref<4x4x1024xf32, #tpu.memory_space<vmem>>
      %dma_start3A_72 = arith.constant 0 : i32
      %dma_start3A_73 = arith.constant 0 : i32
      %dma_start3A_74 = tpu.memref_slice %arg3[%dma_start3A_72, %mul3A_66, %dma_start3A_73] : memref<4x4096x1024xf32, #tpu.memory_space<hbm>> -> memref<4x4x1024xf32, #tpu.memory_space<hbm>>
      %dma_start3A_75 = tpu.memref_slice %run_scoped3A_9[%rem3A_64] : memref<2x!tpu.dma_semaphore, #tpu.memory_space<semaphore_mem>> -> memref<1x!tpu.dma_semaphore, #tpu.memory_space<semaphore_mem>>
      %dma_start3A_76 = tpu.memref_squeeze %dma_start3A_75 : memref<1x!tpu.dma_semaphore, #tpu.memory_space<semaphore_mem>> -> memref<!tpu.dma_semaphore, #tpu.memory_space<semaphore_mem>>
      %dma_start3A_77 = arith.constant 0 : i32
      %dma_start3A_78 = arith.constant 0 : i32
      %dma_start3A_79 = arith.constant 0 : i32
      %dma_start3A_80 = tpu.memref_slice %run_scoped3A_8[%rem3A_64, %dma_start3A_77, %dma_start3A_78, %dma_start3A_79] : memref<2x4x4x1024xf32, #tpu.memory_space<vmem>> -> memref<1x4x4x1024xf32, #tpu.memory_space<vmem>>
      %dma_start3A_81 = tpu.memref_squeeze %dma_start3A_80 : memref<1x4x4x1024xf32, #tpu.memory_space<vmem>> -> memref<4x4x1024xf32, #tpu.memory_space<vmem>>
      %dma_start3A_82 = arith.constant 0 : i32
      %dma_start3A_83 = arith.constant 0 : i32
      %dma_start3A_84 = tpu.memref_slice %arg3[%dma_start3A_82, %mul3A_66, %dma_start3A_83] : memref<4x4096x1024xf32, #tpu.memory_space<hbm>> -> memref<4x4x1024xf32, #tpu.memory_space<hbm>>
      tpu.enqueue_dma source(%dma_start3A_84 : memref<4x4x1024xf32, #tpu.memory_space<hbm>>) target(%dma_start3A_81 : memref<4x4x1024xf32, #tpu.memory_space<vmem>>) target_semaphore(%dma_start3A_76 : memref<!tpu.dma_semaphore, #tpu.memory_space<semaphore_mem>>)
      %add3A_85 = arith.constant 0 : i32
      %add3A_86 = arith.constant 1 : i32
      %add3A_87 = arith.addi %add3A_85, %add3A_86 : i32
      %select_n3A_88 = arith.constant true
      %select_n3A_89 = arith.constant 0 : i32
      %select_n3A_90 = arith.select %select_n3A_88, %add3A_87, %select_n3A_89 : i32
      "tpu.trace_stop"() : () -> ()
      %scan3A = arith.constant 0 : i32
      %scan3A_91 = arith.constant 0 : i32
      %scan3A_92 = arith.constant 0 : i32
      %scan3A_93 = arith.constant 0 : i32
      %scan3A_94 = arith.constant 0 : i32
      %scan3A_95 = arith.constant 0 : i32
      %scan3A_96 = arith.constant 32 : i32
      %scan3A_97 = arith.addi %scan3A_95, %scan3A_96 : i32
      %scan3A_98 = arith.constant 1 : i32
      %scan3A_99:7 = scf.for %scan3A_157 = %scan3A_95 to %scan3A_97 step %scan3A_98 iter_args(%scan3A_158 = %select_n3A_61, %scan3A_159 = %scan3A, %scan3A_160 = %select_n3A_90, %scan3A_161 = %scan3A_91, %scan3A_162 = %scan3A_92, %scan3A_163 = %scan3A_93, %scan3A_164 = %scan3A_94) -> (i32, i32, i32, i32, i32, i32, i32)  : i32 {
        %eq3A_165 = arith.constant 0 : i32
        %eq3A_166 = arith.cmpi eq, %scan3A_157, %eq3A_165 : i32
        %eq3A_167 = arith.constant 31 : i32
        %eq3A_168 = arith.cmpi eq, %scan3A_157, %eq3A_167 : i32
        %add3A_169 = arith.addi %scan3A_164, %mul3A_6 : i32
        %sub3A_170 = arith.constant 1 : i32
        %sub3A_171 = arith.subi %scan3A_164, %sub3A_170 : i32
        %select_n3A_172 = arith.constant true
        %select_n3A_173 = arith.select %select_n3A_172, %sub3A_171, %scan3A_164 : i32
        %eq3A_174 = arith.constant -1 : i32
        %eq3A_175 = arith.cmpi eq, %select_n3A_173, %eq3A_174 : i32
        %select_n3A_176 = arith.constant 31 : i32
        %select_n3A_177 = arith.select %eq3A_175, %select_n3A_176, %select_n3A_173 : i32
        %add3A_178 = arith.addi %select_n3A_177, %mul3A_6 : i32
        %add3A_179 = arith.constant 1 : i32
        %add3A_180 = arith.addi %scan3A_164, %add3A_179 : i32
        %select_n3A_181 = arith.constant true
        %select_n3A_182 = arith.select %select_n3A_181, %add3A_180, %scan3A_164 : i32
        %eq3A_183 = arith.constant 32 : i32
        %eq3A_184 = arith.cmpi eq, %select_n3A_182, %eq3A_183 : i32
        %select_n3A_185 = arith.constant 0 : i32
        %select_n3A_186 = arith.select %eq3A_184, %select_n3A_185, %select_n3A_182 : i32
        %add3A_187 = arith.addi %select_n3A_186, %mul3A_6 : i32
        %add3A_188 = arith.constant 1 : i32
        %add3A_189 = arith.addi %select_n3A_186, %add3A_188 : i32
        %select_n3A_190 = arith.constant true
        %select_n3A_191 = arith.select %select_n3A_190, %add3A_189, %select_n3A_186 : i32
        %eq3A_192 = arith.constant 32 : i32
        %eq3A_193 = arith.cmpi eq, %select_n3A_191, %eq3A_192 : i32
        %select_n3A_194 = arith.constant 0 : i32
        %select_n3A_195 = arith.select %eq3A_193, %select_n3A_194, %select_n3A_191 : i32
        %add3A_196 = arith.addi %select_n3A_195, %mul3A_6 : i32
        %ne3A = arith.cmpi ne, %add3A_169, %add3A_187 : i32
        %or3A = arith.constant false
        %or3A_197 = arith.ori %or3A, %ne3A : i1
        %or3A_198 = arith.constant false
        %or3A_199 = arith.ori %or3A_197, %or3A_198 : i1
        %ge3A = arith.constant 31 : i32
        %ge3A_200 = arith.cmpi sge, %scan3A_157, %ge3A : i32
        %not3A = arith.constant true
        %not3A_201 = arith.xori %ge3A_200, %not3A : i1
        %and3A = arith.andi %or3A_199, %not3A_201 : i1
        %convert_element_type3A = arith.extui %and3A : i1 to i32
        %cond3A = arith.constant 0 : i32
        %cond3A_202 = arith.cmpi ne, %convert_element_type3A, %cond3A : i32
        scf.if %cond3A_202 {
          "tpu.trace_start"() <{level = 10 : i32, message = "ep_copy_in"}> : () -> ()
          %rem3A_378 = arith.constant 2 : i32
          %rem3A_379 = arith.remui %scan3A_158, %rem3A_378 : i32
          %mul3A_380 = arith.constant 4 : i32
          %mul3A_381 = arith.muli %mul3A_380, %add3A_187 : i32
          %dma_start3A_382 = arith.constant 0 : i32
          %dma_start3A_383 = arith.constant 0 : i32
          %dma_start3A_384 = tpu.memref_slice %run_scoped3A[%rem3A_379, %dma_start3A_382, %dma_start3A_383] : memref<2x4x1024xf32, #tpu.memory_space<vmem>> -> memref<1x4x1024xf32, #tpu.memory_space<vmem>>
          %dma_start3A_385 = tpu.memref_squeeze %dma_start3A_384 : memref<1x4x1024xf32, #tpu.memory_space<vmem>> -> memref<4x1024xf32, #tpu.memory_space<vmem>>
          %dma_start3A_386 = arith.constant 0 : i32
          %dma_start3A_387 = tpu.memref_slice %arg2[%mul3A_381, %dma_start3A_386] : memref<4096x1024xf32, #tpu.memory_space<hbm>> -> memref<4x1024xf32, #tpu.memory_space<hbm>>
          %dma_start3A_388 = tpu.memref_slice %run_scoped3A_7[%rem3A_379] : memref<2x!tpu.dma_semaphore, #tpu.memory_space<semaphore_mem>> -> memref<1x!tpu.dma_semaphore, #tpu.memory_space<semaphore_mem>>
          %dma_start3A_389 = tpu.memref_squeeze %dma_start3A_388 : memref<1x!tpu.dma_semaphore, #tpu.memory_space<semaphore_mem>> -> memref<!tpu.dma_semaphore, #tpu.memory_space<semaphore_mem>>
          %dma_start3A_390 = arith.constant 0 : i32
          %dma_start3A_391 = arith.constant 0 : i32
          %dma_start3A_392 = tpu.memref_slice %run_scoped3A[%rem3A_379, %dma_start3A_390, %dma_start3A_391] : memref<2x4x1024xf32, #tpu.memory_space<vmem>> -> memref<1x4x1024xf32, #tpu.memory_space<vmem>>
          %dma_start3A_393 = tpu.memref_squeeze %dma_start3A_392 : memref<1x4x1024xf32, #tpu.memory_space<vmem>> -> memref<4x1024xf32, #tpu.memory_space<vmem>>
          %dma_start3A_394 = arith.constant 0 : i32
          %dma_start3A_395 = tpu.memref_slice %arg2[%mul3A_381, %dma_start3A_394] : memref<4096x1024xf32, #tpu.memory_space<hbm>> -> memref<4x1024xf32, #tpu.memory_space<hbm>>
          tpu.enqueue_dma source(%dma_start3A_395 : memref<4x1024xf32, #tpu.memory_space<hbm>>) target(%dma_start3A_393 : memref<4x1024xf32, #tpu.memory_space<vmem>>) target_semaphore(%dma_start3A_389 : memref<!tpu.dma_semaphore, #tpu.memory_space<semaphore_mem>>)
          "tpu.trace_stop"() : () -> ()
        } else {
        }
        %and3A_203 = arith.constant true
        %and3A_204 = arith.andi %and3A, %and3A_203 : i1
        %add3A_205 = arith.constant 1 : i32
        %add3A_206 = arith.addi %scan3A_158, %add3A_205 : i32
        %select_n3A_207 = arith.select %and3A_204, %add3A_206, %scan3A_158 : i32
        %ne3A_208 = arith.cmpi ne, %add3A_169, %add3A_187 : i32
        %or3A_209 = arith.constant false
        %or3A_210 = arith.ori %or3A_209, %ne3A_208 : i1
        %or3A_211 = arith.constant false
        %or3A_212 = arith.ori %or3A_210, %or3A_211 : i1
        %ge3A_213 = arith.constant 31 : i32
        %ge3A_214 = arith.cmpi sge, %scan3A_157, %ge3A_213 : i32
        %not3A_215 = arith.constant true
        %not3A_216 = arith.xori %ge3A_214, %not3A_215 : i1
        %and3A_217 = arith.andi %or3A_212, %not3A_216 : i1
        %convert_element_type3A_218 = arith.extui %and3A_217 : i1 to i32
        %cond3A_219 = arith.constant 0 : i32
        %cond3A_220 = arith.cmpi ne, %convert_element_type3A_218, %cond3A_219 : i32
        scf.if %cond3A_220 {
          "tpu.trace_start"() <{level = 10 : i32, message = "ep_copy_in"}> : () -> ()
          %rem3A_378 = arith.constant 2 : i32
          %rem3A_379 = arith.remui %scan3A_160, %rem3A_378 : i32
          %mul3A_380 = arith.constant 4 : i32
          %mul3A_381 = arith.muli %mul3A_380, %add3A_187 : i32
          %dma_start3A_382 = arith.constant 0 : i32
          %dma_start3A_383 = arith.constant 0 : i32
          %dma_start3A_384 = arith.constant 0 : i32
          %dma_start3A_385 = tpu.memref_slice %run_scoped3A_8[%rem3A_379, %dma_start3A_382, %dma_start3A_383, %dma_start3A_384] : memref<2x4x4x1024xf32, #tpu.memory_space<vmem>> -> memref<1x4x4x1024xf32, #tpu.memory_space<vmem>>
          %dma_start3A_386 = tpu.memref_squeeze %dma_start3A_385 : memref<1x4x4x1024xf32, #tpu.memory_space<vmem>> -> memref<4x4x1024xf32, #tpu.memory_space<vmem>>
          %dma_start3A_387 = arith.constant 0 : i32
          %dma_start3A_388 = arith.constant 0 : i32
          %dma_start3A_389 = tpu.memref_slice %arg3[%dma_start3A_387, %mul3A_381, %dma_start3A_388] : memref<4x4096x1024xf32, #tpu.memory_space<hbm>> -> memref<4x4x1024xf32, #tpu.memory_space<hbm>>
          %dma_start3A_390 = tpu.memref_slice %run_scoped3A_9[%rem3A_379] : memref<2x!tpu.dma_semaphore, #tpu.memory_space<semaphore_mem>> -> memref<1x!tpu.dma_semaphore, #tpu.memory_space<semaphore_mem>>
          %dma_start3A_391 = tpu.memref_squeeze %dma_start3A_390 : memref<1x!tpu.dma_semaphore, #tpu.memory_space<semaphore_mem>> -> memref<!tpu.dma_semaphore, #tpu.memory_space<semaphore_mem>>
          %dma_start3A_392 = arith.constant 0 : i32
          %dma_start3A_393 = arith.constant 0 : i32
          %dma_start3A_394 = arith.constant 0 : i32
          %dma_start3A_395 = tpu.memref_slice %run_scoped3A_8[%rem3A_379, %dma_start3A_392, %dma_start3A_393, %dma_start3A_394] : memref<2x4x4x1024xf32, #tpu.memory_space<vmem>> -> memref<1x4x4x1024xf32, #tpu.memory_space<vmem>>
          %dma_start3A_396 = tpu.memref_squeeze %dma_start3A_395 : memref<1x4x4x1024xf32, #tpu.memory_space<vmem>> -> memref<4x4x1024xf32, #tpu.memory_space<vmem>>
          %dma_start3A_397 = arith.constant 0 : i32
          %dma_start3A_398 = arith.constant 0 : i32
          %dma_start3A_399 = tpu.memref_slice %arg3[%dma_start3A_397, %mul3A_381, %dma_start3A_398] : memref<4x4096x1024xf32, #tpu.memory_space<hbm>> -> memref<4x4x1024xf32, #tpu.memory_space<hbm>>
          tpu.enqueue_dma source(%dma_start3A_399 : memref<4x4x1024xf32, #tpu.memory_space<hbm>>) target(%dma_start3A_396 : memref<4x4x1024xf32, #tpu.memory_space<vmem>>) target_semaphore(%dma_start3A_391 : memref<!tpu.dma_semaphore, #tpu.memory_space<semaphore_mem>>)
          "tpu.trace_stop"() : () -> ()
        } else {
        }
        %and3A_221 = arith.constant true
        %and3A_222 = arith.andi %and3A_217, %and3A_221 : i1
        %add3A_223 = arith.constant 1 : i32
        %add3A_224 = arith.addi %scan3A_160, %add3A_223 : i32
        %select_n3A_225 = arith.select %and3A_222, %add3A_224, %scan3A_160 : i32
        %ne3A_226 = arith.cmpi ne, %add3A_169, %add3A_187 : i32
        %or3A_227 = arith.constant false
        %or3A_228 = arith.ori %or3A_227, %ne3A_226 : i1
        %or3A_229 = arith.constant false
        %or3A_230 = arith.ori %or3A_228, %or3A_229 : i1
        %ge3A_231 = arith.constant 31 : i32
        %ge3A_232 = arith.cmpi sge, %scan3A_157, %ge3A_231 : i32
        %not3A_233 = arith.constant true
        %not3A_234 = arith.xori %ge3A_232, %not3A_233 : i1
        %and3A_235 = arith.andi %or3A_230, %not3A_234 : i1
        %ne3A_236 = arith.cmpi ne, %add3A_169, %add3A_178 : i32
        %or3A_237 = arith.constant false
        %or3A_238 = arith.ori %or3A_237, %ne3A_236 : i1
        %or3A_239 = arith.constant false
        %or3A_240 = arith.ori %or3A_238, %or3A_239 : i1
        %or3A_241 = arith.ori %or3A_240, %eq3A_166 : i1
        %convert_element_type3A_242 = arith.extui %or3A_241 : i1 to i32
        %cond3A_243 = arith.constant 0 : i32
        %cond3A_244 = arith.cmpi ne, %convert_element_type3A_242, %cond3A_243 : i32
        scf.if %cond3A_244 {
          "tpu.trace_start"() <{level = 10 : i32, message = "ep_wait_in"}> : () -> ()
          %mul3A_378 = arith.constant 4 : i32
          %mul3A_379 = arith.muli %mul3A_378, %add3A_169 : i32
          %rem3A_380 = arith.constant 2 : i32
          %rem3A_381 = arith.remui %scan3A_159, %rem3A_380 : i32
          %dma_wait3A_382 = arith.constant 0 : i32
          %dma_wait3A_383 = arith.constant 0 : i32
          %dma_wait3A_384 = tpu.memref_slice %run_scoped3A[%rem3A_381, %dma_wait3A_382, %dma_wait3A_383] : memref<2x4x1024xf32, #tpu.memory_space<vmem>> -> memref<1x4x1024xf32, #tpu.memory_space<vmem>>
          %dma_wait3A_385 = tpu.memref_squeeze %dma_wait3A_384 : memref<1x4x1024xf32, #tpu.memory_space<vmem>> -> memref<4x1024xf32, #tpu.memory_space<vmem>>
          %dma_wait3A_386 = arith.constant 0 : i32
          %dma_wait3A_387 = tpu.memref_slice %arg2[%mul3A_379, %dma_wait3A_386] : memref<4096x1024xf32, #tpu.memory_space<hbm>> -> memref<4x1024xf32, #tpu.memory_space<hbm>>
          %dma_wait3A_388 = tpu.memref_slice %run_scoped3A_7[%rem3A_381] : memref<2x!tpu.dma_semaphore, #tpu.memory_space<semaphore_mem>> -> memref<1x!tpu.dma_semaphore, #tpu.memory_space<semaphore_mem>>
          %dma_wait3A_389 = tpu.memref_squeeze %dma_wait3A_388 : memref<1x!tpu.dma_semaphore, #tpu.memory_space<semaphore_mem>> -> memref<!tpu.dma_semaphore, #tpu.memory_space<semaphore_mem>>
          %dma_wait3A_390 = arith.constant 0 : i32
          %dma_wait3A_391 = arith.constant 0 : i32
          %dma_wait3A_392 = tpu.memref_slice %run_scoped3A[%rem3A_381, %dma_wait3A_390, %dma_wait3A_391] : memref<2x4x1024xf32, #tpu.memory_space<vmem>> -> memref<1x4x1024xf32, #tpu.memory_space<vmem>>
          %dma_wait3A_393 = tpu.memref_squeeze %dma_wait3A_392 : memref<1x4x1024xf32, #tpu.memory_space<vmem>> -> memref<4x1024xf32, #tpu.memory_space<vmem>>
          %dma_wait3A_394 = arith.constant 0 : i32
          %dma_wait3A_395 = tpu.memref_slice %arg2[%mul3A_379, %dma_wait3A_394] : memref<4096x1024xf32, #tpu.memory_space<hbm>> -> memref<4x1024xf32, #tpu.memory_space<hbm>>
          tpu.wait_dma2 semaphore(%dma_wait3A_389 : memref<!tpu.dma_semaphore, #tpu.memory_space<semaphore_mem>>) src(%dma_wait3A_395 : memref<4x1024xf32, #tpu.memory_space<hbm>>) dst(%dma_wait3A_393 : memref<4x1024xf32, #tpu.memory_space<vmem>>)
          "tpu.trace_stop"() : () -> ()
        } else {
        }
        %ne3A_245 = arith.cmpi ne, %add3A_169, %add3A_178 : i32
        %or3A_246 = arith.constant false
        %or3A_247 = arith.ori %or3A_246, %ne3A_245 : i1
        %or3A_248 = arith.constant false
        %or3A_249 = arith.ori %or3A_247, %or3A_248 : i1
        %or3A_250 = arith.ori %or3A_249, %eq3A_166 : i1
        %convert_element_type3A_251 = arith.extui %or3A_250 : i1 to i32
        %cond3A_252 = arith.constant 0 : i32
        %cond3A_253 = arith.cmpi ne, %convert_element_type3A_251, %cond3A_252 : i32
        scf.if %cond3A_253 {
          "tpu.trace_start"() <{level = 10 : i32, message = "ep_wait_in"}> : () -> ()
          %mul3A_378 = arith.constant 4 : i32
          %mul3A_379 = arith.muli %mul3A_378, %add3A_169 : i32
          %rem3A_380 = arith.constant 2 : i32
          %rem3A_381 = arith.remui %scan3A_161, %rem3A_380 : i32
          %dma_wait3A_382 = arith.constant 0 : i32
          %dma_wait3A_383 = arith.constant 0 : i32
          %dma_wait3A_384 = arith.constant 0 : i32
          %dma_wait3A_385 = tpu.memref_slice %run_scoped3A_8[%rem3A_381, %dma_wait3A_382, %dma_wait3A_383, %dma_wait3A_384] : memref<2x4x4x1024xf32, #tpu.memory_space<vmem>> -> memref<1x4x4x1024xf32, #tpu.memory_space<vmem>>
          %dma_wait3A_386 = tpu.memref_squeeze %dma_wait3A_385 : memref<1x4x4x1024xf32, #tpu.memory_space<vmem>> -> memref<4x4x1024xf32, #tpu.memory_space<vmem>>
          %dma_wait3A_387 = arith.constant 0 : i32
          %dma_wait3A_388 = arith.constant 0 : i32
          %dma_wait3A_389 = tpu.memref_slice %arg3[%dma_wait3A_387, %mul3A_379, %dma_wait3A_388] : memref<4x4096x1024xf32, #tpu.memory_space<hbm>> -> memref<4x4x1024xf32, #tpu.memory_space<hbm>>
          %dma_wait3A_390 = tpu.memref_slice %run_scoped3A_9[%rem3A_381] : memref<2x!tpu.dma_semaphore, #tpu.memory_space<semaphore_mem>> -> memref<1x!tpu.dma_semaphore, #tpu.memory_space<semaphore_mem>>
          %dma_wait3A_391 = tpu.memref_squeeze %dma_wait3A_390 : memref<1x!tpu.dma_semaphore, #tpu.memory_space<semaphore_mem>> -> memref<!tpu.dma_semaphore, #tpu.memory_space<semaphore_mem>>
          %dma_wait3A_392 = arith.constant 0 : i32
          %dma_wait3A_393 = arith.constant 0 : i32
          %dma_wait3A_394 = arith.constant 0 : i32
          %dma_wait3A_395 = tpu.memref_slice %run_scoped3A_8[%rem3A_381, %dma_wait3A_392, %dma_wait3A_393, %dma_wait3A_394] : memref<2x4x4x1024xf32, #tpu.memory_space<vmem>> -> memref<1x4x4x1024xf32, #tpu.memory_space<vmem>>
          %dma_wait3A_396 = tpu.memref_squeeze %dma_wait3A_395 : memref<1x4x4x1024xf32, #tpu.memory_space<vmem>> -> memref<4x4x1024xf32, #tpu.memory_space<vmem>>
          %dma_wait3A_397 = arith.constant 0 : i32
          %dma_wait3A_398 = arith.constant 0 : i32
          %dma_wait3A_399 = tpu.memref_slice %arg3[%dma_wait3A_397, %mul3A_379, %dma_wait3A_398] : memref<4x4096x1024xf32, #tpu.memory_space<hbm>> -> memref<4x4x1024xf32, #tpu.memory_space<hbm>>
          tpu.wait_dma2 semaphore(%dma_wait3A_391 : memref<!tpu.dma_semaphore, #tpu.memory_space<semaphore_mem>>) src(%dma_wait3A_399 : memref<4x4x1024xf32, #tpu.memory_space<hbm>>) dst(%dma_wait3A_396 : memref<4x4x1024xf32, #tpu.memory_space<vmem>>)
          "tpu.trace_stop"() : () -> ()
        } else {
        }
        %ne3A_254 = arith.cmpi ne, %add3A_169, %add3A_178 : i32
        %or3A_255 = arith.constant false
        %or3A_256 = arith.ori %or3A_255, %ne3A_254 : i1
        %or3A_257 = arith.constant false
        %or3A_258 = arith.ori %or3A_256, %or3A_257 : i1
        %or3A_259 = arith.ori %or3A_258, %eq3A_166 : i1
        %convert_element_type3A_260 = arith.extui %or3A_259 : i1 to i32
        %cond3A_261 = arith.constant 0 : i32
        %cond3A_262 = arith.cmpi ne, %convert_element_type3A_260, %cond3A_261 : i32
        scf.if %cond3A_262 {
        } else {
        }
        %rem3A_263 = arith.constant 2 : i32
        %rem3A_264 = arith.remui %scan3A_159, %rem3A_263 : i32
        %rem3A_265 = arith.constant 2 : i32
        %rem3A_266 = arith.remui %scan3A_161, %rem3A_265 : i32
        %rem3A_267 = arith.constant 2 : i32
        %rem3A_268 = arith.remui %scan3A_162, %rem3A_267 : i32
        "tpu.trace_start"() <{level = 10 : i32, message = "ep_run_kernel"}> : () -> ()
        %scan3A_269 = arith.constant 0 : i32
        %scan3A_270 = arith.constant 4 : i32
        %scan3A_271 = arith.addi %scan3A_269, %scan3A_270 : i32
        %scan3A_272 = arith.constant 1 : i32
        scf.for %scan3A_378 = %scan3A_269 to %scan3A_271 step %scan3A_272  : i32 {
          %mul3A_379 = arith.constant 1 : i32
          %mul3A_380 = arith.muli %scan3A_378, %mul3A_379 : i32
          %add3A_381 = arith.constant 0 : i32
          %add3A_382 = arith.addi %add3A_381, %mul3A_380 : i32
          %scan3A_383 = arith.constant 0 : i32
          %scan3A_384 = arith.constant 8 : i32
          %scan3A_385 = arith.addi %scan3A_383, %scan3A_384 : i32
          %scan3A_386 = arith.constant 1 : i32
          scf.for %scan3A_388 = %scan3A_383 to %scan3A_385 step %scan3A_386  : i32 {
            %mul3A_389 = arith.constant 128 : i32
            %mul3A_390 = arith.muli %scan3A_388, %mul3A_389 : i32
            %add3A_391 = arith.constant 0 : i32
            %add3A_392 = arith.addi %add3A_391, %mul3A_390 : i32
            %add3A_393 = arith.constant 0 : i32
            %add3A_394 = arith.addi %add3A_392, %add3A_393 : i32
            %get3A = arith.constant 0 : i32
            %get3A_395 = arith.constant 0 : i32
            %get3A_396 = tpu.memref_slice %run_scoped3A[%rem3A_264, %get3A, %get3A_395] : memref<2x4x1024xf32, #tpu.memory_space<vmem>> -> memref<1x4x1024xf32, #tpu.memory_space<vmem>>
            %get3A_397 = tpu.memref_squeeze %get3A_396 : memref<1x4x1024xf32, #tpu.memory_space<vmem>> -> memref<4x1024xf32, #tpu.memory_space<vmem>>
            %get3A_398 = arith.index_cast %add3A_382 : i32 to index
            %get3A_399 = arith.index_cast %add3A_394 : i32 to index
            %get3A_400 = tpu.vector_load %get3A_397[%get3A_398, %get3A_399] {strides = array<i32>} : memref<4x1024xf32, #tpu.memory_space<vmem>>, vector<1x16xf32>,
            %get3A_401 = vector.shape_cast %get3A_400 : vector<1x16xf32> to vector<16xf32>
            %get3A_402 = arith.constant 0 : i32
            %get3A_403 = arith.constant 0 : i32
            %get3A_404 = arith.constant 0 : i32
            %get3A_405 = arith.constant 0 : i32
            %get3A_406 = tpu.memref_slice %run_scoped3A_8[%rem3A_266, %get3A_403, %get3A_404, %get3A_405] : memref<2x4x4x1024xf32, #tpu.memory_space<vmem>> -> memref<1x4x4x1024xf32, #tpu.memory_space<vmem>>
            %get3A_407 = tpu.memref_squeeze %get3A_406 : memref<1x4x4x1024xf32, #tpu.memory_space<vmem>> -> memref<4x4x1024xf32, #tpu.memory_space<vmem>>
            %get3A_408 = arith.index_cast %get3A_402 : i32 to index
            %get3A_409 = arith.index_cast %add3A_382 : i32 to index
            %get3A_410 = arith.index_cast %add3A_394 : i32 to index
            %get3A_411 = tpu.vector_load %get3A_407[%get3A_408, %get3A_409, %get3A_410] {strides = array<i32>} : memref<4x4x1024xf32, #tpu.memory_space<vmem>>, vector<1x1x16xf32>,
            %get3A_412 = vector.shape_cast %get3A_411 : vector<1x1x16xf32> to vector<16xf32>
            %add3A_413 = arith.addf %get3A_412, %get3A_401 : vector<16xf32>
            %swap3A = arith.constant 0 : i32
            %swap3A_414 = arith.constant 0 : i32
            %swap3A_415 = arith.constant 0 : i32
            %swap3A_416 = arith.constant 0 : i32
            %swap3A_417 = tpu.memref_slice %run_scoped3A_10[%rem3A_268, %swap3A_414, %swap3A_415, %swap3A_416] : memref<2x4x4x1024xf32, #tpu.memory_space<vmem>> -> memref<1x4x4x1024xf32, #tpu.memory_space<vmem>>
            %swap3A_418 = tpu.memref_squeeze %swap3A_417 : memref<1x4x4x1024xf32, #tpu.memory_space<vmem>> -> memref<4x4x1024xf32, #tpu.memory_space<vmem>>
            %swap3A_419 = arith.index_cast %swap3A : i32 to index
            %swap3A_420 = arith.index_cast %add3A_382 : i32 to index
            %swap3A_421 = arith.index_cast %add3A_394 : i32 to index
            %swap3A_422 = tpu.vector_load %swap3A_418[%swap3A_419, %swap3A_420, %swap3A_421] {strides = array<i32>} : memref<4x4x1024xf32, #tpu.memory_space<vmem>>, vector<1x1x16xf32>,
            %swap3A_423 = vector.shape_cast %swap3A_422 : vector<1x1x16xf32> to vector<16xf32>
            %swap3A_424 = vector.shape_cast %add3A_413 : vector<16xf32> to vector<1x1x16xf32>
            tpu.vector_store %swap3A_418[%swap3A_419, %swap3A_420, %swap3A_421], %swap3A_424 {strides = array<i32>} : memref<4x4x1024xf32, #tpu.memory_space<vmem>>, vector<1x1x16xf32>,
            %get3A_425 = arith.constant 1 : i32
            %get3A_426 = arith.constant 0 : i32
            %get3A_427 = arith.constant 0 : i32
            %get3A_428 = arith.constant 0 : i32
            %get3A_429 = tpu.memref_slice %run_scoped3A_8[%rem3A_266, %get3A_426, %get3A_427, %get3A_428] : memref<2x4x4x1024xf32, #tpu.memory_space<vmem>> -> memref<1x4x4x1024xf32, #tpu.memory_space<vmem>>
            %get3A_430 = tpu.memref_squeeze %get3A_429 : memref<1x4x4x1024xf32, #tpu.memory_space<vmem>> -> memref<4x4x1024xf32, #tpu.memory_space<vmem>>
            %get3A_431 = arith.index_cast %get3A_425 : i32 to index
            %get3A_432 = arith.index_cast %add3A_382 : i32 to index
            %get3A_433 = arith.index_cast %add3A_394 : i32 to index
            %get3A_434 = tpu.vector_load %get3A_430[%get3A_431, %get3A_432, %get3A_433] {strides = array<i32>} : memref<4x4x1024xf32, #tpu.memory_space<vmem>>, vector<1x1x16xf32>,
            %get3A_435 = vector.shape_cast %get3A_434 : vector<1x1x16xf32> to vector<16xf32>
            %add3A_436 = arith.addf %get3A_435, %get3A_401 : vector<16xf32>
            %swap3A_437 = arith.constant 1 : i32
            %swap3A_438 = arith.constant 0 : i32
            %swap3A_439 = arith.constant 0 : i32
            %swap3A_440 = arith.constant 0 : i32
            %swap3A_441 = tpu.memref_slice %run_scoped3A_10[%rem3A_268, %swap3A_438, %swap3A_439, %swap3A_440] : memref<2x4x4x1024xf32, #tpu.memory_space<vmem>> -> memref<1x4x4x1024xf32, #tpu.memory_space<vmem>>
            %swap3A_442 = tpu.memref_squeeze %swap3A_441 : memref<1x4x4x1024xf32, #tpu.memory_space<vmem>> -> memref<4x4x1024xf32, #tpu.memory_space<vmem>>
            %swap3A_443 = arith.index_cast %swap3A_437 : i32 to index
            %swap3A_444 = arith.index_cast %add3A_382 : i32 to index
            %swap3A_445 = arith.index_cast %add3A_394 : i32 to index
            %swap3A_446 = tpu.vector_load %swap3A_442[%swap3A_443, %swap3A_444, %swap3A_445] {strides = array<i32>} : memref<4x4x1024xf32, #tpu.memory_space<vmem>>, vector<1x1x16xf32>,
            %swap3A_447 = vector.shape_cast %swap3A_446 : vector<1x1x16xf32> to vector<16xf32>
            %swap3A_448 = vector.shape_cast %add3A_436 : vector<16xf32> to vector<1x1x16xf32>
            tpu.vector_store %swap3A_442[%swap3A_443, %swap3A_444, %swap3A_445], %swap3A_448 {strides = array<i32>} : memref<4x4x1024xf32, #tpu.memory_space<vmem>>, vector<1x1x16xf32>,
            %get3A_449 = arith.constant 2 : i32
            %get3A_450 = arith.constant 0 : i32
            %get3A_451 = arith.constant 0 : i32
            %get3A_452 = arith.constant 0 : i32
            %get3A_453 = tpu.memref_slice %run_scoped3A_8[%rem3A_266, %get3A_450, %get3A_451, %get3A_452] : memref<2x4x4x1024xf32, #tpu.memory_space<vmem>> -> memref<1x4x4x1024xf32, #tpu.memory_space<vmem>>
            %get3A_454 = tpu.memref_squeeze %get3A_453 : memref<1x4x4x1024xf32, #tpu.memory_space<vmem>> -> memref<4x4x1024xf32, #tpu.memory_space<vmem>>
            %get3A_455 = arith.index_cast %get3A_449 : i32 to index
            %get3A_456 = arith.index_cast %add3A_382 : i32 to index
            %get3A_457 = arith.index_cast %add3A_394 : i32 to index
            %get3A_458 = tpu.vector_load %get3A_454[%get3A_455, %get3A_456, %get3A_457] {strides = array<i32>} : memref<4x4x1024xf32, #tpu.memory_space<vmem>>, vector<1x1x16xf32>,
            %get3A_459 = vector.shape_cast %get3A_458 : vector<1x1x16xf32> to vector<16xf32>
            %add3A_460 = arith.addf %get3A_459, %get3A_401 : vector<16xf32>
            %swap3A_461 = arith.constant 2 : i32
            %swap3A_462 = arith.constant 0 : i32
            %swap3A_463 = arith.constant 0 : i32
            %swap3A_464 = arith.constant 0 : i32
            %swap3A_465 = tpu.memref_slice %run_scoped3A_10[%rem3A_268, %swap3A_462, %swap3A_463, %swap3A_464] : memref<2x4x4x1024xf32, #tpu.memory_space<vmem>> -> memref<1x4x4x1024xf32, #tpu.memory_space<vmem>>
            %swap3A_466 = tpu.memref_squeeze %swap3A_465 : memref<1x4x4x1024xf32, #tpu.memory_space<vmem>> -> memref<4x4x1024xf32, #tpu.memory_space<vmem>>
            %swap3A_467 = arith.index_cast %swap3A_461 : i32 to index
            %swap3A_468 = arith.index_cast %add3A_382 : i32 to index
            %swap3A_469 = arith.index_cast %add3A_394 : i32 to index
            %swap3A_470 = tpu.vector_load %swap3A_466[%swap3A_467, %swap3A_468, %swap3A_469] {strides = array<i32>} : memref<4x4x1024xf32, #tpu.memory_space<vmem>>, vector<1x1x16xf32>,
            %swap3A_471 = vector.shape_cast %swap3A_470 : vector<1x1x16xf32> to vector<16xf32>
            %swap3A_472 = vector.shape_cast %add3A_460 : vector<16xf32> to vector<1x1x16xf32>
            tpu.vector_store %swap3A_466[%swap3A_467, %swap3A_468, %swap3A_469], %swap3A_472 {strides = array<i32>} : memref<4x4x1024xf32, #tpu.memory_space<vmem>>, vector<1x1x16xf32>,
            %get3A_473 = arith.constant 3 : i32
            %get3A_474 = arith.constant 0 : i32
            %get3A_475 = arith.constant 0 : i32
            %get3A_476 = arith.constant 0 : i32
            %get3A_477 = tpu.memref_slice %run_scoped3A_8[%rem3A_266, %get3A_474, %get3A_475, %get3A_476] : memref<2x4x4x1024xf32, #tpu.memory_space<vmem>> -> memref<1x4x4x1024xf32, #tpu.memory_space<vmem>>
            %get3A_478 = tpu.memref_squeeze %get3A_477 : memref<1x4x4x1024xf32, #tpu.memory_space<vmem>> -> memref<4x4x1024xf32, #tpu.memory_space<vmem>>
            %get3A_479 = arith.index_cast %get3A_473 : i32 to index
            %get3A_480 = arith.index_cast %add3A_382 : i32 to index
            %get3A_481 = arith.index_cast %add3A_394 : i32 to index
            %get3A_482 = tpu.vector_load %get3A_478[%get3A_479, %get3A_480, %get3A_481] {strides = array<i32>} : memref<4x4x1024xf32, #tpu.memory_space<vmem>>, vector<1x1x16xf32>,
            %get3A_483 = vector.shape_cast %get3A_482 : vector<1x1x16xf32> to vector<16xf32>
            %add3A_484 = arith.addf %get3A_483, %get3A_401 : vector<16xf32>
            %swap3A_485 = arith.constant 3 : i32
            %swap3A_486 = arith.constant 0 : i32
            %swap3A_487 = arith.constant 0 : i32
            %swap3A_488 = arith.constant 0 : i32
            %swap3A_489 = tpu.memref_slice %run_scoped3A_10[%rem3A_268, %swap3A_486, %swap3A_487, %swap3A_488] : memref<2x4x4x1024xf32, #tpu.memory_space<vmem>> -> memref<1x4x4x1024xf32, #tpu.memory_space<vmem>>
            %swap3A_490 = tpu.memref_squeeze %swap3A_489 : memref<1x4x4x1024xf32, #tpu.memory_space<vmem>> -> memref<4x4x1024xf32, #tpu.memory_space<vmem>>
            %swap3A_491 = arith.index_cast %swap3A_485 : i32 to index
            %swap3A_492 = arith.index_cast %add3A_382 : i32 to index
            %swap3A_493 = arith.index_cast %add3A_394 : i32 to index
            %swap3A_494 = tpu.vector_load %swap3A_490[%swap3A_491, %swap3A_492, %swap3A_493] {strides = array<i32>} : memref<4x4x1024xf32, #tpu.memory_space<vmem>>, vector<1x1x16xf32>,
            %swap3A_495 = vector.shape_cast %swap3A_494 : vector<1x1x16xf32> to vector<16xf32>
            %swap3A_496 = vector.shape_cast %add3A_484 : vector<16xf32> to vector<1x1x16xf32>
            tpu.vector_store %swap3A_490[%swap3A_491, %swap3A_492, %swap3A_493], %swap3A_496 {strides = array<i32>} : memref<4x4x1024xf32, #tpu.memory_space<vmem>>, vector<1x1x16xf32>,
            %add3A_497 = arith.constant 16 : i32
            %add3A_498 = arith.addi %add3A_392, %add3A_497 : i32
            %get3A_499 = arith.constant 0 : i32
            %get3A_500 = arith.constant 0 : i32
            %get3A_501 = tpu.memref_slice %run_scoped3A[%rem3A_264, %get3A_499, %get3A_500] : memref<2x4x1024xf32, #tpu.memory_space<vmem>> -> memref<1x4x1024xf32, #tpu.memory_space<vmem>>
            %get3A_502 = tpu.memref_squeeze %get3A_501 : memref<1x4x1024xf32, #tpu.memory_space<vmem>> -> memref<4x1024xf32, #tpu.memory_space<vmem>>
            %get3A_503 = arith.index_cast %add3A_382 : i32 to index
            %get3A_504 = arith.index_cast %add3A_498 : i32 to index
            %get3A_505 = tpu.vector_load %get3A_502[%get3A_503, %get3A_504] {strides = array<i32>} : memref<4x1024xf32, #tpu.memory_space<vmem>>, vector<1x16xf32>,
            %get3A_506 = vector.shape_cast %get3A_505 : vector<1x16xf32> to vector<16xf32>
            %get3A_507 = arith.constant 0 : i32
            %get3A_508 = arith.constant 0 : i32
            %get3A_509 = arith.constant 0 : i32
            %get3A_510 = arith.constant 0 : i32
            %get3A_511 = tpu.memref_slice %run_scoped3A_8[%rem3A_266, %get3A_508, %get3A_509, %get3A_510] : memref<2x4x4x1024xf32, #tpu.memory_space<vmem>> -> memref<1x4x4x1024xf32, #tpu.memory_space<vmem>>
            %get3A_512 = tpu.memref_squeeze %get3A_511 : memref<1x4x4x1024xf32, #tpu.memory_space<vmem>> -> memref<4x4x1024xf32, #tpu.memory_space<vmem>>
            %get3A_513 = arith.index_cast %get3A_507 : i32 to index
            %get3A_514 = arith.index_cast %add3A_382 : i32 to index
            %get3A_515 = arith.index_cast %add3A_498 : i32 to index
            %get3A_516 = tpu.vector_load %get3A_512[%get3A_513, %get3A_514, %get3A_515] {strides = array<i32>} : memref<4x4x1024xf32, #tpu.memory_space<vmem>>, vector<1x1x16xf32>,
            %get3A_517 = vector.shape_cast %get3A_516 : vector<1x1x16xf32> to vector<16xf32>
            %add3A_518 = arith.addf %get3A_517, %get3A_506 : vector<16xf32>
            %swap3A_519 = arith.constant 0 : i32
            %swap3A_520 = arith.constant 0 : i32
            %swap3A_521 = arith.constant 0 : i32
            %swap3A_522 = arith.constant 0 : i32
            %swap3A_523 = tpu.memref_slice %run_scoped3A_10[%rem3A_268, %swap3A_520, %swap3A_521, %swap3A_522] : memref<2x4x4x1024xf32, #tpu.memory_space<vmem>> -> memref<1x4x4x1024xf32, #tpu.memory_space<vmem>>
            %swap3A_524 = tpu.memref_squeeze %swap3A_523 : memref<1x4x4x1024xf32, #tpu.memory_space<vmem>> -> memref<4x4x1024xf32, #tpu.memory_space<vmem>>
            %swap3A_525 = arith.index_cast %swap3A_519 : i32 to index
            %swap3A_526 = arith.index_cast %add3A_382 : i32 to index
            %swap3A_527 = arith.index_cast %add3A_498 : i32 to index
            %swap3A_528 = tpu.vector_load %swap3A_524[%swap3A_525, %swap3A_526, %swap3A_527] {strides = array<i32>} : memref<4x4x1024xf32, #tpu.memory_space<vmem>>, vector<1x1x16xf32>,
            %swap3A_529 = vector.shape_cast %swap3A_528 : vector<1x1x16xf32> to vector<16xf32>
            %swap3A_530 = vector.shape_cast %add3A_518 : vector<16xf32> to vector<1x1x16xf32>
            tpu.vector_store %swap3A_524[%swap3A_525, %swap3A_526, %swap3A_527], %swap3A_530 {strides = array<i32>} : memref<4x4x1024xf32, #tpu.memory_space<vmem>>, vector<1x1x16xf32>,
            %get3A_531 = arith.constant 1 : i32
            %get3A_532 = arith.constant 0 : i32
            %get3A_533 = arith.constant 0 : i32
            %get3A_534 = arith.constant 0 : i32
            %get3A_535 = tpu.memref_slice %run_scoped3A_8[%rem3A_266, %get3A_532, %get3A_533, %get3A_534] : memref<2x4x4x1024xf32, #tpu.memory_space<vmem>> -> memref<1x4x4x1024xf32, #tpu.memory_space<vmem>>
            %get3A_536 = tpu.memref_squeeze %get3A_535 : memref<1x4x4x1024xf32, #tpu.memory_space<vmem>> -> memref<4x4x1024xf32, #tpu.memory_space<vmem>>
            %get3A_537 = arith.index_cast %get3A_531 : i32 to index
            %get3A_538 = arith.index_cast %add3A_382 : i32 to index
            %get3A_539 = arith.index_cast %add3A_498 : i32 to index
            %get3A_540 = tpu.vector_load %get3A_536[%get3A_537, %get3A_538, %get3A_539] {strides = array<i32>} : memref<4x4x1024xf32, #tpu.memory_space<vmem>>, vector<1x1x16xf32>,
            %get3A_541 = vector.shape_cast %get3A_540 : vector<1x1x16xf32> to vector<16xf32>
            %add3A_542 = arith.addf %get3A_541, %get3A_506 : vector<16xf32>
            %swap3A_543 = arith.constant 1 : i32
            %swap3A_544 = arith.constant 0 : i32
            %swap3A_545 = arith.constant 0 : i32
            %swap3A_546 = arith.constant 0 : i32
            %swap3A_547 = tpu.memref_slice %run_scoped3A_10[%rem3A_268, %swap3A_544, %swap3A_545, %swap3A_546] : memref<2x4x4x1024xf32, #tpu.memory_space<vmem>> -> memref<1x4x4x1024xf32, #tpu.memory_space<vmem>>
            %swap3A_548 = tpu.memref_squeeze %swap3A_547 : memref<1x4x4x1024xf32, #tpu.memory_space<vmem>> -> memref<4x4x1024xf32, #tpu.memory_space<vmem>>
            %swap3A_549 = arith.index_cast %swap3A_543 : i32 to index
            %swap3A_550 = arith.index_cast %add3A_382 : i32 to index
            %swap3A_551 = arith.index_cast %add3A_498 : i32 to index
            %swap3A_552 = tpu.vector_load %swap3A_548[%swap3A_549, %swap3A_550, %swap3A_551] {strides = array<i32>} : memref<4x4x1024xf32, #tpu.memory_space<vmem>>, vector<1x1x16xf32>,
            %swap3A_553 = vector.shape_cast %swap3A_552 : vector<1x1x16xf32> to vector<16xf32>
            %swap3A_554 = vector.shape_cast %add3A_542 : vector<16xf32> to vector<1x1x16xf32>
            tpu.vector_store %swap3A_548[%swap3A_549, %swap3A_550, %swap3A_551], %swap3A_554 {strides = array<i32>} : memref<4x4x1024xf32, #tpu.memory_space<vmem>>, vector<1x1x16xf32>,
            %get3A_555 = arith.constant 2 : i32
            %get3A_556 = arith.constant 0 : i32
            %get3A_557 = arith.constant 0 : i32
            %get3A_558 = arith.constant 0 : i32
            %get3A_559 = tpu.memref_slice %run_scoped3A_8[%rem3A_266, %get3A_556, %get3A_557, %get3A_558] : memref<2x4x4x1024xf32, #tpu.memory_space<vmem>> -> memref<1x4x4x1024xf32, #tpu.memory_space<vmem>>
            %get3A_560 = tpu.memref_squeeze %get3A_559 : memref<1x4x4x1024xf32, #tpu.memory_space<vmem>> -> memref<4x4x1024xf32, #tpu.memory_space<vmem>>
            %get3A_561 = arith.index_cast %get3A_555 : i32 to index
            %get3A_562 = arith.index_cast %add3A_382 : i32 to index
            %get3A_563 = arith.index_cast %add3A_498 : i32 to index
            %get3A_564 = tpu.vector_load %get3A_560[%get3A_561, %get3A_562, %get3A_563] {strides = array<i32>} : memref<4x4x1024xf32, #tpu.memory_space<vmem>>, vector<1x1x16xf32>,
            %get3A_565 = vector.shape_cast %get3A_564 : vector<1x1x16xf32> to vector<16xf32>
            %add3A_566 = arith.addf %get3A_565, %get3A_506 : vector<16xf32>
            %swap3A_567 = arith.constant 2 : i32
            %swap3A_568 = arith.constant 0 : i32
            %swap3A_569 = arith.constant 0 : i32
            %swap3A_570 = arith.constant 0 : i32
            %swap3A_571 = tpu.memref_slice %run_scoped3A_10[%rem3A_268, %swap3A_568, %swap3A_569, %swap3A_570] : memref<2x4x4x1024xf32, #tpu.memory_space<vmem>> -> memref<1x4x4x1024xf32, #tpu.memory_space<vmem>>
            %swap3A_572 = tpu.memref_squeeze %swap3A_571 : memref<1x4x4x1024xf32, #tpu.memory_space<vmem>> -> memref<4x4x1024xf32, #tpu.memory_space<vmem>>
            %swap3A_573 = arith.index_cast %swap3A_567 : i32 to index
            %swap3A_574 = arith.index_cast %add3A_382 : i32 to index
            %swap3A_575 = arith.index_cast %add3A_498 : i32 to index
            %swap3A_576 = tpu.vector_load %swap3A_572[%swap3A_573, %swap3A_574, %swap3A_575] {strides = array<i32>} : memref<4x4x1024xf32, #tpu.memory_space<vmem>>, vector<1x1x16xf32>,
            %swap3A_577 = vector.shape_cast %swap3A_576 : vector<1x1x16xf32> to vector<16xf32>
            %swap3A_578 = vector.shape_cast %add3A_566 : vector<16xf32> to vector<1x1x16xf32>
            tpu.vector_store %swap3A_572[%swap3A_573, %swap3A_574, %swap3A_575], %swap3A_578 {strides = array<i32>} : memref<4x4x1024xf32, #tpu.memory_space<vmem>>, vector<1x1x16xf32>,
            %get3A_579 = arith.constant 3 : i32
            %get3A_580 = arith.constant 0 : i32
            %get3A_581 = arith.constant 0 : i32
            %get3A_582 = arith.constant 0 : i32
            %get3A_583 = tpu.memref_slice %run_scoped3A_8[%rem3A_266, %get3A_580, %get3A_581, %get3A_582] : memref<2x4x4x1024xf32, #tpu.memory_space<vmem>> -> memref<1x4x4x1024xf32, #tpu.memory_space<vmem>>
            %get3A_584 = tpu.memref_squeeze %get3A_583 : memref<1x4x4x1024xf32, #tpu.memory_space<vmem>> -> memref<4x4x1024xf32, #tpu.memory_space<vmem>>
            %get3A_585 = arith.index_cast %get3A_579 : i32 to index
            %get3A_586 = arith.index_cast %add3A_382 : i32 to index
            %get3A_587 = arith.index_cast %add3A_498 : i32 to index
            %get3A_588 = tpu.vector_load %get3A_584[%get3A_585, %get3A_586, %get3A_587] {strides = array<i32>} : memref<4x4x1024xf32, #tpu.memory_space<vmem>>, vector<1x1x16xf32>,
            %get3A_589 = vector.shape_cast %get3A_588 : vector<1x1x16xf32> to vector<16xf32>
            %add3A_590 = arith.addf %get3A_589, %get3A_506 : vector<16xf32>
            %swap3A_591 = arith.constant 3 : i32
            %swap3A_592 = arith.constant 0 : i32
            %swap3A_593 = arith.constant 0 : i32
            %swap3A_594 = arith.constant 0 : i32
            %swap3A_595 = tpu.memref_slice %run_scoped3A_10[%rem3A_268, %swap3A_592, %swap3A_593, %swap3A_594] : memref<2x4x4x1024xf32, #tpu.memory_space<vmem>> -> memref<1x4x4x1024xf32, #tpu.memory_space<vmem>>
            %swap3A_596 = tpu.memref_squeeze %swap3A_595 : memref<1x4x4x1024xf32, #tpu.memory_space<vmem>> -> memref<4x4x1024xf32, #tpu.memory_space<vmem>>
            %swap3A_597 = arith.index_cast %swap3A_591 : i32 to index
            %swap3A_598 = arith.index_cast %add3A_382 : i32 to index
            %swap3A_599 = arith.index_cast %add3A_498 : i32 to index
            %swap3A_600 = tpu.vector_load %swap3A_596[%swap3A_597, %swap3A_598, %swap3A_599] {strides = array<i32>} : memref<4x4x1024xf32, #tpu.memory_space<vmem>>, vector<1x1x16xf32>,
            %swap3A_601 = vector.shape_cast %swap3A_600 : vector<1x1x16xf32> to vector<16xf32>
            %swap3A_602 = vector.shape_cast %add3A_590 : vector<16xf32> to vector<1x1x16xf32>
            tpu.vector_store %swap3A_596[%swap3A_597, %swap3A_598, %swap3A_599], %swap3A_602 {strides = array<i32>} : memref<4x4x1024xf32, #tpu.memory_space<vmem>>, vector<1x1x16xf32>,
            %add3A_603 = arith.constant 32 : i32
            %add3A_604 = arith.addi %add3A_392, %add3A_603 : i32
            %get3A_605 = arith.constant 0 : i32
            %get3A_606 = arith.constant 0 : i32
            %get3A_607 = tpu.memref_slice %run_scoped3A[%rem3A_264, %get3A_605, %get3A_606] : memref<2x4x1024xf32, #tpu.memory_space<vmem>> -> memref<1x4x1024xf32, #tpu.memory_space<vmem>>
            %get3A_608 = tpu.memref_squeeze %get3A_607 : memref<1x4x1024xf32, #tpu.memory_space<vmem>> -> memref<4x1024xf32, #tpu.memory_space<vmem>>
            %get3A_609 = arith.index_cast %add3A_382 : i32 to index
            %get3A_610 = arith.index_cast %add3A_604 : i32 to index
            %get3A_611 = tpu.vector_load %get3A_608[%get3A_609, %get3A_610] {strides = array<i32>} : memref<4x1024xf32, #tpu.memory_space<vmem>>, vector<1x16xf32>,
            %get3A_612 = vector.shape_cast %get3A_611 : vector<1x16xf32> to vector<16xf32>
            %get3A_613 = arith.constant 0 : i32
            %get3A_614 = arith.constant 0 : i32
            %get3A_615 = arith.constant 0 : i32
            %get3A_616 = arith.constant 0 : i32
            %get3A_617 = tpu.memref_slice %run_scoped3A_8[%rem3A_266, %get3A_614, %get3A_615, %get3A_616] : memref<2x4x4x1024xf32, #tpu.memory_space<vmem>> -> memref<1x4x4x1024xf32, #tpu.memory_space<vmem>>
            %get3A_618 = tpu.memref_squeeze %get3A_617 : memref<1x4x4x1024xf32, #tpu.memory_space<vmem>> -> memref<4x4x1024xf32, #tpu.memory_space<vmem>>
            %get3A_619 = arith.index_cast %get3A_613 : i32 to index
            %get3A_620 = arith.index_cast %add3A_382 : i32 to index
            %get3A_621 = arith.index_cast %add3A_604 : i32 to index
            %get3A_622 = tpu.vector_load %get3A_618[%get3A_619, %get3A_620, %get3A_621] {strides = array<i32>} : memref<4x4x1024xf32, #tpu.memory_space<vmem>>, vector<1x1x16xf32>,
            %get3A_623 = vector.shape_cast %get3A_622 : vector<1x1x16xf32> to vector<16xf32>
            %add3A_624 = arith.addf %get3A_623, %get3A_612 : vector<16xf32>
            %swap3A_625 = arith.constant 0 : i32
            %swap3A_626 = arith.constant 0 : i32
            %swap3A_627 = arith.constant 0 : i32
            %swap3A_628 = arith.constant 0 : i32
            %swap3A_629 = tpu.memref_slice %run_scoped3A_10[%rem3A_268, %swap3A_626, %swap3A_627, %swap3A_628] : memref<2x4x4x1024xf32, #tpu.memory_space<vmem>> -> memref<1x4x4x1024xf32, #tpu.memory_space<vmem>>
            %swap3A_630 = tpu.memref_squeeze %swap3A_629 : memref<1x4x4x1024xf32, #tpu.memory_space<vmem>> -> memref<4x4x1024xf32, #tpu.memory_space<vmem>>
            %swap3A_631 = arith.index_cast %swap3A_625 : i32 to index
            %swap3A_632 = arith.index_cast %add3A_382 : i32 to index
            %swap3A_633 = arith.index_cast %add3A_604 : i32 to index
            %swap3A_634 = tpu.vector_load %swap3A_630[%swap3A_631, %swap3A_632, %swap3A_633] {strides = array<i32>} : memref<4x4x1024xf32, #tpu.memory_space<vmem>>, vector<1x1x16xf32>,
            %swap3A_635 = vector.shape_cast %swap3A_634 : vector<1x1x16xf32> to vector<16xf32>
            %swap3A_636 = vector.shape_cast %add3A_624 : vector<16xf32> to vector<1x1x16xf32>
            tpu.vector_store %swap3A_630[%swap3A_631, %swap3A_632, %swap3A_633], %swap3A_636 {strides = array<i32>} : memref<4x4x1024xf32, #tpu.memory_space<vmem>>, vector<1x1x16xf32>,
            %get3A_637 = arith.constant 1 : i32
            %get3A_638 = arith.constant 0 : i32
            %get3A_639 = arith.constant 0 : i32
            %get3A_640 = arith.constant 0 : i32
            %get3A_641 = tpu.memref_slice %run_scoped3A_8[%rem3A_266, %get3A_638, %get3A_639, %get3A_640] : memref<2x4x4x1024xf32, #tpu.memory_space<vmem>> -> memref<1x4x4x1024xf32, #tpu.memory_space<vmem>>
            %get3A_642 = tpu.memref_squeeze %get3A_641 : memref<1x4x4x1024xf32, #tpu.memory_space<vmem>> -> memref<4x4x1024xf32, #tpu.memory_space<vmem>>
            %get3A_643 = arith.index_cast %get3A_637 : i32 to index
            %get3A_644 = arith.index_cast %add3A_382 : i32 to index
            %get3A_645 = arith.index_cast %add3A_604 : i32 to index
            %get3A_646 = tpu.vector_load %get3A_642[%get3A_643, %get3A_644, %get3A_645] {strides = array<i32>} : memref<4x4x1024xf32, #tpu.memory_space<vmem>>, vector<1x1x16xf32>,
            %get3A_647 = vector.shape_cast %get3A_646 : vector<1x1x16xf32> to vector<16xf32>
            %add3A_648 = arith.addf %get3A_647, %get3A_612 : vector<16xf32>
            %swap3A_649 = arith.constant 1 : i32
            %swap3A_650 = arith.constant 0 : i32
            %swap3A_651 = arith.constant 0 : i32
            %swap3A_652 = arith.constant 0 : i32
            %swap3A_653 = tpu.memref_slice %run_scoped3A_10[%rem3A_268, %swap3A_650, %swap3A_651, %swap3A_652] : memref<2x4x4x1024xf32, #tpu.memory_space<vmem>> -> memref<1x4x4x1024xf32, #tpu.memory_space<vmem>>
            %swap3A_654 = tpu.memref_squeeze %swap3A_653 : memref<1x4x4x1024xf32, #tpu.memory_space<vmem>> -> memref<4x4x1024xf32, #tpu.memory_space<vmem>>
            %swap3A_655 = arith.index_cast %swap3A_649 : i32 to index
            %swap3A_656 = arith.index_cast %add3A_382 : i32 to index
            %swap3A_657 = arith.index_cast %add3A_604 : i32 to index
            %swap3A_658 = tpu.vector_load %swap3A_654[%swap3A_655, %swap3A_656, %swap3A_657] {strides = array<i32>} : memref<4x4x1024xf32, #tpu.memory_space<vmem>>, vector<1x1x16xf32>,
            %swap3A_659 = vector.shape_cast %swap3A_658 : vector<1x1x16xf32> to vector<16xf32>
            %swap3A_660 = vector.shape_cast %add3A_648 : vector<16xf32> to vector<1x1x16xf32>
            tpu.vector_store %swap3A_654[%swap3A_655, %swap3A_656, %swap3A_657], %swap3A_660 {strides = array<i32>} : memref<4x4x1024xf32, #tpu.memory_space<vmem>>, vector<1x1x16xf32>,
            %get3A_661 = arith.constant 2 : i32
            %get3A_662 = arith.constant 0 : i32
            %get3A_663 = arith.constant 0 : i32
            %get3A_664 = arith.constant 0 : i32
            %get3A_665 = tpu.memref_slice %run_scoped3A_8[%rem3A_266, %get3A_662, %get3A_663, %get3A_664] : memref<2x4x4x1024xf32, #tpu.memory_space<vmem>> -> memref<1x4x4x1024xf32, #tpu.memory_space<vmem>>
            %get3A_666 = tpu.memref_squeeze %get3A_665 : memref<1x4x4x1024xf32, #tpu.memory_space<vmem>> -> memref<4x4x1024xf32, #tpu.memory_space<vmem>>
            %get3A_667 = arith.index_cast %get3A_661 : i32 to index
            %get3A_668 = arith.index_cast %add3A_382 : i32 to index
            %get3A_669 = arith.index_cast %add3A_604 : i32 to index
            %get3A_670 = tpu.vector_load %get3A_666[%get3A_667, %get3A_668, %get3A_669] {strides = array<i32>} : memref<4x4x1024xf32, #tpu.memory_space<vmem>>, vector<1x1x16xf32>,
            %get3A_671 = vector.shape_cast %get3A_670 : vector<1x1x16xf32> to vector<16xf32>
            %add3A_672 = arith.addf %get3A_671, %get3A_612 : vector<16xf32>
            %swap3A_673 = arith.constant 2 : i32
            %swap3A_674 = arith.constant 0 : i32
            %swap3A_675 = arith.constant 0 : i32
            %swap3A_676 = arith.constant 0 : i32
            %swap3A_677 = tpu.memref_slice %run_scoped3A_10[%rem3A_268, %swap3A_674, %swap3A_675, %swap3A_676] : memref<2x4x4x1024xf32, #tpu.memory_space<vmem>> -> memref<1x4x4x1024xf32, #tpu.memory_space<vmem>>
            %swap3A_678 = tpu.memref_squeeze %swap3A_677 : memref<1x4x4x1024xf32, #tpu.memory_space<vmem>> -> memref<4x4x1024xf32, #tpu.memory_space<vmem>>
            %swap3A_679 = arith.index_cast %swap3A_673 : i32 to index
            %swap3A_680 = arith.index_cast %add3A_382 : i32 to index
            %swap3A_681 = arith.index_cast %add3A_604 : i32 to index
            %swap3A_682 = tpu.vector_load %swap3A_678[%swap3A_679, %swap3A_680, %swap3A_681] {strides = array<i32>} : memref<4x4x1024xf32, #tpu.memory_space<vmem>>, vector<1x1x16xf32>,
            %swap3A_683 = vector.shape_cast %swap3A_682 : vector<1x1x16xf32> to vector<16xf32>
            %swap3A_684 = vector.shape_cast %add3A_672 : vector<16xf32> to vector<1x1x16xf32>
            tpu.vector_store %swap3A_678[%swap3A_679, %swap3A_680, %swap3A_681], %swap3A_684 {strides = array<i32>} : memref<4x4x1024xf32, #tpu.memory_space<vmem>>, vector<1x1x16xf32>,
            %get3A_685 = arith.constant 3 : i32
            %get3A_686 = arith.constant 0 : i32
            %get3A_687 = arith.constant 0 : i32
            %get3A_688 = arith.constant 0 : i32
            %get3A_689 = tpu.memref_slice %run_scoped3A_8[%rem3A_266, %get3A_686, %get3A_687, %get3A_688] : memref<2x4x4x1024xf32, #tpu.memory_space<vmem>> -> memref<1x4x4x1024xf32, #tpu.memory_space<vmem>>
            %get3A_690 = tpu.memref_squeeze %get3A_689 : memref<1x4x4x1024xf32, #tpu.memory_space<vmem>> -> memref<4x4x1024xf32, #tpu.memory_space<vmem>>
            %get3A_691 = arith.index_cast %get3A_685 : i32 to index
            %get3A_692 = arith.index_cast %add3A_382 : i32 to index
            %get3A_693 = arith.index_cast %add3A_604 : i32 to index
            %get3A_694 = tpu.vector_load %get3A_690[%get3A_691, %get3A_692, %get3A_693] {strides = array<i32>} : memref<4x4x1024xf32, #tpu.memory_space<vmem>>, vector<1x1x16xf32>,
            %get3A_695 = vector.shape_cast %get3A_694 : vector<1x1x16xf32> to vector<16xf32>
            %add3A_696 = arith.addf %get3A_695, %get3A_612 : vector<16xf32>
            %swap3A_697 = arith.constant 3 : i32
            %swap3A_698 = arith.constant 0 : i32
            %swap3A_699 = arith.constant 0 : i32
            %swap3A_700 = arith.constant 0 : i32
            %swap3A_701 = tpu.memref_slice %run_scoped3A_10[%rem3A_268, %swap3A_698, %swap3A_699, %swap3A_700] : memref<2x4x4x1024xf32, #tpu.memory_space<vmem>> -> memref<1x4x4x1024xf32, #tpu.memory_space<vmem>>
            %swap3A_702 = tpu.memref_squeeze %swap3A_701 : memref<1x4x4x1024xf32, #tpu.memory_space<vmem>> -> memref<4x4x1024xf32, #tpu.memory_space<vmem>>
            %swap3A_703 = arith.index_cast %swap3A_697 : i32 to index
            %swap3A_704 = arith.index_cast %add3A_382 : i32 to index
            %swap3A_705 = arith.index_cast %add3A_604 : i32 to index
            %swap3A_706 = tpu.vector_load %swap3A_702[%swap3A_703, %swap3A_704, %swap3A_705] {strides = array<i32>} : memref<4x4x1024xf32, #tpu.memory_space<vmem>>, vector<1x1x16xf32>,
            %swap3A_707 = vector.shape_cast %swap3A_706 : vector<1x1x16xf32> to vector<16xf32>
            %swap3A_708 = vector.shape_cast %add3A_696 : vector<16xf32> to vector<1x1x16xf32>
            tpu.vector_store %swap3A_702[%swap3A_703, %swap3A_704, %swap3A_705], %swap3A_708 {strides = array<i32>} : memref<4x4x1024xf32, #tpu.memory_space<vmem>>, vector<1x1x16xf32>,
            %add3A_709 = arith.constant 48 : i32
            %add3A_710 = arith.addi %add3A_392, %add3A_709 : i32
            %get3A_711 = arith.constant 0 : i32
            %get3A_712 = arith.constant 0 : i32
            %get3A_713 = tpu.memref_slice %run_scoped3A[%rem3A_264, %get3A_711, %get3A_712] : memref<2x4x1024xf32, #tpu.memory_space<vmem>> -> memref<1x4x1024xf32, #tpu.memory_space<vmem>>
            %get3A_714 = tpu.memref_squeeze %get3A_713 : memref<1x4x1024xf32, #tpu.memory_space<vmem>> -> memref<4x1024xf32, #tpu.memory_space<vmem>>
            %get3A_715 = arith.index_cast %add3A_382 : i32 to index
            %get3A_716 = arith.index_cast %add3A_710 : i32 to index
            %get3A_717 = tpu.vector_load %get3A_714[%get3A_715, %get3A_716] {strides = array<i32>} : memref<4x1024xf32, #tpu.memory_space<vmem>>, vector<1x16xf32>,
            %get3A_718 = vector.shape_cast %get3A_717 : vector<1x16xf32> to vector<16xf32>
            %get3A_719 = arith.constant 0 : i32
            %get3A_720 = arith.constant 0 : i32
            %get3A_721 = arith.constant 0 : i32
            %get3A_722 = arith.constant 0 : i32
            %get3A_723 = tpu.memref_slice %run_scoped3A_8[%rem3A_266, %get3A_720, %get3A_721, %get3A_722] : memref<2x4x4x1024xf32, #tpu.memory_space<vmem>> -> memref<1x4x4x1024xf32, #tpu.memory_space<vmem>>
            %get3A_724 = tpu.memref_squeeze %get3A_723 : memref<1x4x4x1024xf32, #tpu.memory_space<vmem>> -> memref<4x4x1024xf32, #tpu.memory_space<vmem>>
            %get3A_725 = arith.index_cast %get3A_719 : i32 to index
            %get3A_726 = arith.index_cast %add3A_382 : i32 to index
            %get3A_727 = arith.index_cast %add3A_710 : i32 to index
            %get3A_728 = tpu.vector_load %get3A_724[%get3A_725, %get3A_726, %get3A_727] {strides = array<i32>} : memref<4x4x1024xf32, #tpu.memory_space<vmem>>, vector<1x1x16xf32>,
            %get3A_729 = vector.shape_cast %get3A_728 : vector<1x1x16xf32> to vector<16xf32>
            %add3A_730 = arith.addf %get3A_729, %get3A_718 : vector<16xf32>
            %swap3A_731 = arith.constant 0 : i32
            %swap3A_732 = arith.constant 0 : i32
            %swap3A_733 = arith.constant 0 : i32
            %swap3A_734 = arith.constant 0 : i32
            %swap3A_735 = tpu.memref_slice %run_scoped3A_10[%rem3A_268, %swap3A_732, %swap3A_733, %swap3A_734] : memref<2x4x4x1024xf32, #tpu.memory_space<vmem>> -> memref<1x4x4x1024xf32, #tpu.memory_space<vmem>>
            %swap3A_736 = tpu.memref_squeeze %swap3A_735 : memref<1x4x4x1024xf32, #tpu.memory_space<vmem>> -> memref<4x4x1024xf32, #tpu.memory_space<vmem>>
            %swap3A_737 = arith.index_cast %swap3A_731 : i32 to index
            %swap3A_738 = arith.index_cast %add3A_382 : i32 to index
            %swap3A_739 = arith.index_cast %add3A_710 : i32 to index
            %swap3A_740 = tpu.vector_load %swap3A_736[%swap3A_737, %swap3A_738, %swap3A_739] {strides = array<i32>} : memref<4x4x1024xf32, #tpu.memory_space<vmem>>, vector<1x1x16xf32>,
            %swap3A_741 = vector.shape_cast %swap3A_740 : vector<1x1x16xf32> to vector<16xf32>
            %swap3A_742 = vector.shape_cast %add3A_730 : vector<16xf32> to vector<1x1x16xf32>
            tpu.vector_store %swap3A_736[%swap3A_737, %swap3A_738, %swap3A_739], %swap3A_742 {strides = array<i32>} : memref<4x4x1024xf32, #tpu.memory_space<vmem>>, vector<1x1x16xf32>,
            %get3A_743 = arith.constant 1 : i32
            %get3A_744 = arith.constant 0 : i32
            %get3A_745 = arith.constant 0 : i32
            %get3A_746 = arith.constant 0 : i32
            %get3A_747 = tpu.memref_slice %run_scoped3A_8[%rem3A_266, %get3A_744, %get3A_745, %get3A_746] : memref<2x4x4x1024xf32, #tpu.memory_space<vmem>> -> memref<1x4x4x1024xf32, #tpu.memory_space<vmem>>
            %get3A_748 = tpu.memref_squeeze %get3A_747 : memref<1x4x4x1024xf32, #tpu.memory_space<vmem>> -> memref<4x4x1024xf32, #tpu.memory_space<vmem>>
            %get3A_749 = arith.index_cast %get3A_743 : i32 to index
            %get3A_750 = arith.index_cast %add3A_382 : i32 to index
            %get3A_751 = arith.index_cast %add3A_710 : i32 to index
            %get3A_752 = tpu.vector_load %get3A_748[%get3A_749, %get3A_750, %get3A_751] {strides = array<i32>} : memref<4x4x1024xf32, #tpu.memory_space<vmem>>, vector<1x1x16xf32>,
            %get3A_753 = vector.shape_cast %get3A_752 : vector<1x1x16xf32> to vector<16xf32>
            %add3A_754 = arith.addf %get3A_753, %get3A_718 : vector<16xf32>
            %swap3A_755 = arith.constant 1 : i32
            %swap3A_756 = arith.constant 0 : i32
            %swap3A_757 = arith.constant 0 : i32
            %swap3A_758 = arith.constant 0 : i32
            %swap3A_759 = tpu.memref_slice %run_scoped3A_10[%rem3A_268, %swap3A_756, %swap3A_757, %swap3A_758] : memref<2x4x4x1024xf32, #tpu.memory_space<vmem>> -> memref<1x4x4x1024xf32, #tpu.memory_space<vmem>>
            %swap3A_760 = tpu.memref_squeeze %swap3A_759 : memref<1x4x4x1024xf32, #tpu.memory_space<vmem>> -> memref<4x4x1024xf32, #tpu.memory_space<vmem>>
            %swap3A_761 = arith.index_cast %swap3A_755 : i32 to index
            %swap3A_762 = arith.index_cast %add3A_382 : i32 to index
            %swap3A_763 = arith.index_cast %add3A_710 : i32 to index
            %swap3A_764 = tpu.vector_load %swap3A_760[%swap3A_761, %swap3A_762, %swap3A_763] {strides = array<i32>} : memref<4x4x1024xf32, #tpu.memory_space<vmem>>, vector<1x1x16xf32>,
            %swap3A_765 = vector.shape_cast %swap3A_764 : vector<1x1x16xf32> to vector<16xf32>
            %swap3A_766 = vector.shape_cast %add3A_754 : vector<16xf32> to vector<1x1x16xf32>
            tpu.vector_store %swap3A_760[%swap3A_761, %swap3A_762, %swap3A_763], %swap3A_766 {strides = array<i32>} : memref<4x4x1024xf32, #tpu.memory_space<vmem>>, vector<1x1x16xf32>,
            %get3A_767 = arith.constant 2 : i32
            %get3A_768 = arith.constant 0 : i32
            %get3A_769 = arith.constant 0 : i32
            %get3A_770 = arith.constant 0 : i32
            %get3A_771 = tpu.memref_slice %run_scoped3A_8[%rem3A_266, %get3A_768, %get3A_769, %get3A_770] : memref<2x4x4x1024xf32, #tpu.memory_space<vmem>> -> memref<1x4x4x1024xf32, #tpu.memory_space<vmem>>
            %get3A_772 = tpu.memref_squeeze %get3A_771 : memref<1x4x4x1024xf32, #tpu.memory_space<vmem>> -> memref<4x4x1024xf32, #tpu.memory_space<vmem>>
            %get3A_773 = arith.index_cast %get3A_767 : i32 to index
            %get3A_774 = arith.index_cast %add3A_382 : i32 to index
            %get3A_775 = arith.index_cast %add3A_710 : i32 to index
            %get3A_776 = tpu.vector_load %get3A_772[%get3A_773, %get3A_774, %get3A_775] {strides = array<i32>} : memref<4x4x1024xf32, #tpu.memory_space<vmem>>, vector<1x1x16xf32>,
            %get3A_777 = vector.shape_cast %get3A_776 : vector<1x1x16xf32> to vector<16xf32>
            %add3A_778 = arith.addf %get3A_777, %get3A_718 : vector<16xf32>
            %swap3A_779 = arith.constant 2 : i32
            %swap3A_780 = arith.constant 0 : i32
            %swap3A_781 = arith.constant 0 : i32
            %swap3A_782 = arith.constant 0 : i32
            %swap3A_783 = tpu.memref_slice %run_scoped3A_10[%rem3A_268, %swap3A_780, %swap3A_781, %swap3A_782] : memref<2x4x4x1024xf32, #tpu.memory_space<vmem>> -> memref<1x4x4x1024xf32, #tpu.memory_space<vmem>>
            %swap3A_784 = tpu.memref_squeeze %swap3A_783 : memref<1x4x4x1024xf32, #tpu.memory_space<vmem>> -> memref<4x4x1024xf32, #tpu.memory_space<vmem>>
            %swap3A_785 = arith.index_cast %swap3A_779 : i32 to index
            %swap3A_786 = arith.index_cast %add3A_382 : i32 to index
            %swap3A_787 = arith.index_cast %add3A_710 : i32 to index
            %swap3A_788 = tpu.vector_load %swap3A_784[%swap3A_785, %swap3A_786, %swap3A_787] {strides = array<i32>} : memref<4x4x1024xf32, #tpu.memory_space<vmem>>, vector<1x1x16xf32>,
            %swap3A_789 = vector.shape_cast %swap3A_788 : vector<1x1x16xf32> to vector<16xf32>
            %swap3A_790 = vector.shape_cast %add3A_778 : vector<16xf32> to vector<1x1x16xf32>
            tpu.vector_store %swap3A_784[%swap3A_785, %swap3A_786, %swap3A_787], %swap3A_790 {strides = array<i32>} : memref<4x4x1024xf32, #tpu.memory_space<vmem>>, vector<1x1x16xf32>,
            %get3A_791 = arith.constant 3 : i32
            %get3A_792 = arith.constant 0 : i32
            %get3A_793 = arith.constant 0 : i32
            %get3A_794 = arith.constant 0 : i32
            %get3A_795 = tpu.memref_slice %run_scoped3A_8[%rem3A_266, %get3A_792, %get3A_793, %get3A_794] : memref<2x4x4x1024xf32, #tpu.memory_space<vmem>> -> memref<1x4x4x1024xf32, #tpu.memory_space<vmem>>
            %get3A_796 = tpu.memref_squeeze %get3A_795 : memref<1x4x4x1024xf32, #tpu.memory_space<vmem>> -> memref<4x4x1024xf32, #tpu.memory_space<vmem>>
            %get3A_797 = arith.index_cast %get3A_791 : i32 to index
            %get3A_798 = arith.index_cast %add3A_382 : i32 to index
            %get3A_799 = arith.index_cast %add3A_710 : i32 to index
            %get3A_800 = tpu.vector_load %get3A_796[%get3A_797, %get3A_798, %get3A_799] {strides = array<i32>} : memref<4x4x1024xf32, #tpu.memory_space<vmem>>, vector<1x1x16xf32>,
            %get3A_801 = vector.shape_cast %get3A_800 : vector<1x1x16xf32> to vector<16xf32>
            %add3A_802 = arith.addf %get3A_801, %get3A_718 : vector<16xf32>
            %swap3A_803 = arith.constant 3 : i32
            %swap3A_804 = arith.constant 0 : i32
            %swap3A_805 = arith.constant 0 : i32
            %swap3A_806 = arith.constant 0 : i32
            %swap3A_807 = tpu.memref_slice %run_scoped3A_10[%rem3A_268, %swap3A_804, %swap3A_805, %swap3A_806] : memref<2x4x4x1024xf32, #tpu.memory_space<vmem>> -> memref<1x4x4x1024xf32, #tpu.memory_space<vmem>>
            %swap3A_808 = tpu.memref_squeeze %swap3A_807 : memref<1x4x4x1024xf32, #tpu.memory_space<vmem>> -> memref<4x4x1024xf32, #tpu.memory_space<vmem>>
            %swap3A_809 = arith.index_cast %swap3A_803 : i32 to index
            %swap3A_810 = arith.index_cast %add3A_382 : i32 to index
            %swap3A_811 = arith.index_cast %add3A_710 : i32 to index
            %swap3A_812 = tpu.vector_load %swap3A_808[%swap3A_809, %swap3A_810, %swap3A_811] {strides = array<i32>} : memref<4x4x1024xf32, #tpu.memory_space<vmem>>, vector<1x1x16xf32>,
            %swap3A_813 = vector.shape_cast %swap3A_812 : vector<1x1x16xf32> to vector<16xf32>
            %swap3A_814 = vector.shape_cast %add3A_802 : vector<16xf32> to vector<1x1x16xf32>
            tpu.vector_store %swap3A_808[%swap3A_809, %swap3A_810, %swap3A_811], %swap3A_814 {strides = array<i32>} : memref<4x4x1024xf32, #tpu.memory_space<vmem>>, vector<1x1x16xf32>,
            %add3A_815 = arith.constant 64 : i32
            %add3A_816 = arith.addi %add3A_392, %add3A_815 : i32
            %get3A_817 = arith.constant 0 : i32
            %get3A_818 = arith.constant 0 : i32
            %get3A_819 = tpu.memref_slice %run_scoped3A[%rem3A_264, %get3A_817, %get3A_818] : memref<2x4x1024xf32, #tpu.memory_space<vmem>> -> memref<1x4x1024xf32, #tpu.memory_space<vmem>>
            %get3A_820 = tpu.memref_squeeze %get3A_819 : memref<1x4x1024xf32, #tpu.memory_space<vmem>> -> memref<4x1024xf32, #tpu.memory_space<vmem>>
            %get3A_821 = arith.index_cast %add3A_382 : i32 to index
            %get3A_822 = arith.index_cast %add3A_816 : i32 to index
            %get3A_823 = tpu.vector_load %get3A_820[%get3A_821, %get3A_822] {strides = array<i32>} : memref<4x1024xf32, #tpu.memory_space<vmem>>, vector<1x16xf32>,
            %get3A_824 = vector.shape_cast %get3A_823 : vector<1x16xf32> to vector<16xf32>
            %get3A_825 = arith.constant 0 : i32
            %get3A_826 = arith.constant 0 : i32
            %get3A_827 = arith.constant 0 : i32
            %get3A_828 = arith.constant 0 : i32
            %get3A_829 = tpu.memref_slice %run_scoped3A_8[%rem3A_266, %get3A_826, %get3A_827, %get3A_828] : memref<2x4x4x1024xf32, #tpu.memory_space<vmem>> -> memref<1x4x4x1024xf32, #tpu.memory_space<vmem>>
            %get3A_830 = tpu.memref_squeeze %get3A_829 : memref<1x4x4x1024xf32, #tpu.memory_space<vmem>> -> memref<4x4x1024xf32, #tpu.memory_space<vmem>>
            %get3A_831 = arith.index_cast %get3A_825 : i32 to index
            %get3A_832 = arith.index_cast %add3A_382 : i32 to index
            %get3A_833 = arith.index_cast %add3A_816 : i32 to index
            %get3A_834 = tpu.vector_load %get3A_830[%get3A_831, %get3A_832, %get3A_833] {strides = array<i32>} : memref<4x4x1024xf32, #tpu.memory_space<vmem>>, vector<1x1x16xf32>,
            %get3A_835 = vector.shape_cast %get3A_834 : vector<1x1x16xf32> to vector<16xf32>
            %add3A_836 = arith.addf %get3A_835, %get3A_824 : vector<16xf32>
            %swap3A_837 = arith.constant 0 : i32
            %swap3A_838 = arith.constant 0 : i32
            %swap3A_839 = arith.constant 0 : i32
            %swap3A_840 = arith.constant 0 : i32
            %swap3A_841 = tpu.memref_slice %run_scoped3A_10[%rem3A_268, %swap3A_838, %swap3A_839, %swap3A_840] : memref<2x4x4x1024xf32, #tpu.memory_space<vmem>> -> memref<1x4x4x1024xf32, #tpu.memory_space<vmem>>
            %swap3A_842 = tpu.memref_squeeze %swap3A_841 : memref<1x4x4x1024xf32, #tpu.memory_space<vmem>> -> memref<4x4x1024xf32, #tpu.memory_space<vmem>>
            %swap3A_843 = arith.index_cast %swap3A_837 : i32 to index
            %swap3A_844 = arith.index_cast %add3A_382 : i32 to index
            %swap3A_845 = arith.index_cast %add3A_816 : i32 to index
            %swap3A_846 = tpu.vector_load %swap3A_842[%swap3A_843, %swap3A_844, %swap3A_845] {strides = array<i32>} : memref<4x4x1024xf32, #tpu.memory_space<vmem>>, vector<1x1x16xf32>,
            %swap3A_847 = vector.shape_cast %swap3A_846 : vector<1x1x16xf32> to vector<16xf32>
            %swap3A_848 = vector.shape_cast %add3A_836 : vector<16xf32> to vector<1x1x16xf32>
            tpu.vector_store %swap3A_842[%swap3A_843, %swap3A_844, %swap3A_845], %swap3A_848 {strides = array<i32>} : memref<4x4x1024xf32, #tpu.memory_space<vmem>>, vector<1x1x16xf32>,
            %get3A_849 = arith.constant 1 : i32
            %get3A_850 = arith.constant 0 : i32
            %get3A_851 = arith.constant 0 : i32
            %get3A_852 = arith.constant 0 : i32
            %get3A_853 = tpu.memref_slice %run_scoped3A_8[%rem3A_266, %get3A_850, %get3A_851, %get3A_852] : memref<2x4x4x1024xf32, #tpu.memory_space<vmem>> -> memref<1x4x4x1024xf32, #tpu.memory_space<vmem>>
            %get3A_854 = tpu.memref_squeeze %get3A_853 : memref<1x4x4x1024xf32, #tpu.memory_space<vmem>> -> memref<4x4x1024xf32, #tpu.memory_space<vmem>>
            %get3A_855 = arith.index_cast %get3A_849 : i32 to index
            %get3A_856 = arith.index_cast %add3A_382 : i32 to index
            %get3A_857 = arith.index_cast %add3A_816 : i32 to index
            %get3A_858 = tpu.vector_load %get3A_854[%get3A_855, %get3A_856, %get3A_857] {strides = array<i32>} : memref<4x4x1024xf32, #tpu.memory_space<vmem>>, vector<1x1x16xf32>,
            %get3A_859 = vector.shape_cast %get3A_858 : vector<1x1x16xf32> to vector<16xf32>
            %add3A_860 = arith.addf %get3A_859, %get3A_824 : vector<16xf32>
            %swap3A_861 = arith.constant 1 : i32
            %swap3A_862 = arith.constant 0 : i32
            %swap3A_863 = arith.constant 0 : i32
            %swap3A_864 = arith.constant 0 : i32
            %swap3A_865 = tpu.memref_slice %run_scoped3A_10[%rem3A_268, %swap3A_862, %swap3A_863, %swap3A_864] : memref<2x4x4x1024xf32, #tpu.memory_space<vmem>> -> memref<1x4x4x1024xf32, #tpu.memory_space<vmem>>
            %swap3A_866 = tpu.memref_squeeze %swap3A_865 : memref<1x4x4x1024xf32, #tpu.memory_space<vmem>> -> memref<4x4x1024xf32, #tpu.memory_space<vmem>>
            %swap3A_867 = arith.index_cast %swap3A_861 : i32 to index
            %swap3A_868 = arith.index_cast %add3A_382 : i32 to index
            %swap3A_869 = arith.index_cast %add3A_816 : i32 to index
            %swap3A_870 = tpu.vector_load %swap3A_866[%swap3A_867, %swap3A_868, %swap3A_869] {strides = array<i32>} : memref<4x4x1024xf32, #tpu.memory_space<vmem>>, vector<1x1x16xf32>,
            %swap3A_871 = vector.shape_cast %swap3A_870 : vector<1x1x16xf32> to vector<16xf32>
            %swap3A_872 = vector.shape_cast %add3A_860 : vector<16xf32> to vector<1x1x16xf32>
            tpu.vector_store %swap3A_866[%swap3A_867, %swap3A_868, %swap3A_869], %swap3A_872 {strides = array<i32>} : memref<4x4x1024xf32, #tpu.memory_space<vmem>>, vector<1x1x16xf32>,
            %get3A_873 = arith.constant 2 : i32
            %get3A_874 = arith.constant 0 : i32
            %get3A_875 = arith.constant 0 : i32
            %get3A_876 = arith.constant 0 : i32
            %get3A_877 = tpu.memref_slice %run_scoped3A_8[%rem3A_266, %get3A_874, %get3A_875, %get3A_876] : memref<2x4x4x1024xf32, #tpu.memory_space<vmem>> -> memref<1x4x4x1024xf32, #tpu.memory_space<vmem>>
            %get3A_878 = tpu.memref_squeeze %get3A_877 : memref<1x4x4x1024xf32, #tpu.memory_space<vmem>> -> memref<4x4x1024xf32, #tpu.memory_space<vmem>>
            %get3A_879 = arith.index_cast %get3A_873 : i32 to index
            %get3A_880 = arith.index_cast %add3A_382 : i32 to index
            %get3A_881 = arith.index_cast %add3A_816 : i32 to index
            %get3A_882 = tpu.vector_load %get3A_878[%get3A_879, %get3A_880, %get3A_881] {strides = array<i32>} : memref<4x4x1024xf32, #tpu.memory_space<vmem>>, vector<1x1x16xf32>,
            %get3A_883 = vector.shape_cast %get3A_882 : vector<1x1x16xf32> to vector<16xf32>
            %add3A_884 = arith.addf %get3A_883, %get3A_824 : vector<16xf32>
            %swap3A_885 = arith.constant 2 : i32
            %swap3A_886 = arith.constant 0 : i32
            %swap3A_887 = arith.constant 0 : i32
            %swap3A_888 = arith.constant 0 : i32
            %swap3A_889 = tpu.memref_slice %run_scoped3A_10[%rem3A_268, %swap3A_886, %swap3A_887, %swap3A_888] : memref<2x4x4x1024xf32, #tpu.memory_space<vmem>> -> memref<1x4x4x1024xf32, #tpu.memory_space<vmem>>
            %swap3A_890 = tpu.memref_squeeze %swap3A_889 : memref<1x4x4x1024xf32, #tpu.memory_space<vmem>> -> memref<4x4x1024xf32, #tpu.memory_space<vmem>>
            %swap3A_891 = arith.index_cast %swap3A_885 : i32 to index
            %swap3A_892 = arith.index_cast %add3A_382 : i32 to index
            %swap3A_893 = arith.index_cast %add3A_816 : i32 to index
            %swap3A_894 = tpu.vector_load %swap3A_890[%swap3A_891, %swap3A_892, %swap3A_893] {strides = array<i32>} : memref<4x4x1024xf32, #tpu.memory_space<vmem>>, vector<1x1x16xf32>,
            %swap3A_895 = vector.shape_cast %swap3A_894 : vector<1x1x16xf32> to vector<16xf32>
            %swap3A_896 = vector.shape_cast %add3A_884 : vector<16xf32> to vector<1x1x16xf32>
            tpu.vector_store %swap3A_890[%swap3A_891, %swap3A_892, %swap3A_893], %swap3A_896 {strides = array<i32>} : memref<4x4x1024xf32, #tpu.memory_space<vmem>>, vector<1x1x16xf32>,
            %get3A_897 = arith.constant 3 : i32
            %get3A_898 = arith.constant 0 : i32
            %get3A_899 = arith.constant 0 : i32
            %get3A_900 = arith.constant 0 : i32
            %get3A_901 = tpu.memref_slice %run_scoped3A_8[%rem3A_266, %get3A_898, %get3A_899, %get3A_900] : memref<2x4x4x1024xf32, #tpu.memory_space<vmem>> -> memref<1x4x4x1024xf32, #tpu.memory_space<vmem>>
            %get3A_902 = tpu.memref_squeeze %get3A_901 : memref<1x4x4x1024xf32, #tpu.memory_space<vmem>> -> memref<4x4x1024xf32, #tpu.memory_space<vmem>>
            %get3A_903 = arith.index_cast %get3A_897 : i32 to index
            %get3A_904 = arith.index_cast %add3A_382 : i32 to index
            %get3A_905 = arith.index_cast %add3A_816 : i32 to index
            %get3A_906 = tpu.vector_load %get3A_902[%get3A_903, %get3A_904, %get3A_905] {strides = array<i32>} : memref<4x4x1024xf32, #tpu.memory_space<vmem>>, vector<1x1x16xf32>,
            %get3A_907 = vector.shape_cast %get3A_906 : vector<1x1x16xf32> to vector<16xf32>
            %add3A_908 = arith.addf %get3A_907, %get3A_824 : vector<16xf32>
            %swap3A_909 = arith.constant 3 : i32
            %swap3A_910 = arith.constant 0 : i32
            %swap3A_911 = arith.constant 0 : i32
            %swap3A_912 = arith.constant 0 : i32
            %swap3A_913 = tpu.memref_slice %run_scoped3A_10[%rem3A_268, %swap3A_910, %swap3A_911, %swap3A_912] : memref<2x4x4x1024xf32, #tpu.memory_space<vmem>> -> memref<1x4x4x1024xf32, #tpu.memory_space<vmem>>
            %swap3A_914 = tpu.memref_squeeze %swap3A_913 : memref<1x4x4x1024xf32, #tpu.memory_space<vmem>> -> memref<4x4x1024xf32, #tpu.memory_space<vmem>>
            %swap3A_915 = arith.index_cast %swap3A_909 : i32 to index
            %swap3A_916 = arith.index_cast %add3A_382 : i32 to index
            %swap3A_917 = arith.index_cast %add3A_816 : i32 to index
            %swap3A_918 = tpu.vector_load %swap3A_914[%swap3A_915, %swap3A_916, %swap3A_917] {strides = array<i32>} : memref<4x4x1024xf32, #tpu.memory_space<vmem>>, vector<1x1x16xf32>,
            %swap3A_919 = vector.shape_cast %swap3A_918 : vector<1x1x16xf32> to vector<16xf32>
            %swap3A_920 = vector.shape_cast %add3A_908 : vector<16xf32> to vector<1x1x16xf32>
            tpu.vector_store %swap3A_914[%swap3A_915, %swap3A_916, %swap3A_917], %swap3A_920 {strides = array<i32>} : memref<4x4x1024xf32, #tpu.memory_space<vmem>>, vector<1x1x16xf32>,
            %add3A_921 = arith.constant 80 : i32
            %add3A_922 = arith.addi %add3A_392, %add3A_921 : i32
            %get3A_923 = arith.constant 0 : i32
            %get3A_924 = arith.constant 0 : i32
            %get3A_925 = tpu.memref_slice %run_scoped3A[%rem3A_264, %get3A_923, %get3A_924] : memref<2x4x1024xf32, #tpu.memory_space<vmem>> -> memref<1x4x1024xf32, #tpu.memory_space<vmem>>
            %get3A_926 = tpu.memref_squeeze %get3A_925 : memref<1x4x1024xf32, #tpu.memory_space<vmem>> -> memref<4x1024xf32, #tpu.memory_space<vmem>>
            %get3A_927 = arith.index_cast %add3A_382 : i32 to index
            %get3A_928 = arith.index_cast %add3A_922 : i32 to index
            %get3A_929 = tpu.vector_load %get3A_926[%get3A_927, %get3A_928] {strides = array<i32>} : memref<4x1024xf32, #tpu.memory_space<vmem>>, vector<1x16xf32>,
            %get3A_930 = vector.shape_cast %get3A_929 : vector<1x16xf32> to vector<16xf32>
            %get3A_931 = arith.constant 0 : i32
            %get3A_932 = arith.constant 0 : i32
            %get3A_933 = arith.constant 0 : i32
            %get3A_934 = arith.constant 0 : i32
            %get3A_935 = tpu.memref_slice %run_scoped3A_8[%rem3A_266, %get3A_932, %get3A_933, %get3A_934] : memref<2x4x4x1024xf32, #tpu.memory_space<vmem>> -> memref<1x4x4x1024xf32, #tpu.memory_space<vmem>>
            %get3A_936 = tpu.memref_squeeze %get3A_935 : memref<1x4x4x1024xf32, #tpu.memory_space<vmem>> -> memref<4x4x1024xf32, #tpu.memory_space<vmem>>
            %get3A_937 = arith.index_cast %get3A_931 : i32 to index
            %get3A_938 = arith.index_cast %add3A_382 : i32 to index
            %get3A_939 = arith.index_cast %add3A_922 : i32 to index
            %get3A_940 = tpu.vector_load %get3A_936[%get3A_937, %get3A_938, %get3A_939] {strides = array<i32>} : memref<4x4x1024xf32, #tpu.memory_space<vmem>>, vector<1x1x16xf32>,
            %get3A_941 = vector.shape_cast %get3A_940 : vector<1x1x16xf32> to vector<16xf32>
            %add3A_942 = arith.addf %get3A_941, %get3A_930 : vector<16xf32>
            %swap3A_943 = arith.constant 0 : i32
            %swap3A_944 = arith.constant 0 : i32
            %swap3A_945 = arith.constant 0 : i32
            %swap3A_946 = arith.constant 0 : i32
            %swap3A_947 = tpu.memref_slice %run_scoped3A_10[%rem3A_268, %swap3A_944, %swap3A_945, %swap3A_946] : memref<2x4x4x1024xf32, #tpu.memory_space<vmem>> -> memref<1x4x4x1024xf32, #tpu.memory_space<vmem>>
            %swap3A_948 = tpu.memref_squeeze %swap3A_947 : memref<1x4x4x1024xf32, #tpu.memory_space<vmem>> -> memref<4x4x1024xf32, #tpu.memory_space<vmem>>
            %swap3A_949 = arith.index_cast %swap3A_943 : i32 to index
            %swap3A_950 = arith.index_cast %add3A_382 : i32 to index
            %swap3A_951 = arith.index_cast %add3A_922 : i32 to index
            %swap3A_952 = tpu.vector_load %swap3A_948[%swap3A_949, %swap3A_950, %swap3A_951] {strides = array<i32>} : memref<4x4x1024xf32, #tpu.memory_space<vmem>>, vector<1x1x16xf32>,
            %swap3A_953 = vector.shape_cast %swap3A_952 : vector<1x1x16xf32> to vector<16xf32>
            %swap3A_954 = vector.shape_cast %add3A_942 : vector<16xf32> to vector<1x1x16xf32>
            tpu.vector_store %swap3A_948[%swap3A_949, %swap3A_950, %swap3A_951], %swap3A_954 {strides = array<i32>} : memref<4x4x1024xf32, #tpu.memory_space<vmem>>, vector<1x1x16xf32>,
            %get3A_955 = arith.constant 1 : i32
            %get3A_956 = arith.constant 0 : i32
            %get3A_957 = arith.constant 0 : i32
            %get3A_958 = arith.constant 0 : i32
            %get3A_959 = tpu.memref_slice %run_scoped3A_8[%rem3A_266, %get3A_956, %get3A_957, %get3A_958] : memref<2x4x4x1024xf32, #tpu.memory_space<vmem>> -> memref<1x4x4x1024xf32, #tpu.memory_space<vmem>>
            %get3A_960 = tpu.memref_squeeze %get3A_959 : memref<1x4x4x1024xf32, #tpu.memory_space<vmem>> -> memref<4x4x1024xf32, #tpu.memory_space<vmem>>
            %get3A_961 = arith.index_cast %get3A_955 : i32 to index
            %get3A_962 = arith.index_cast %add3A_382 : i32 to index
            %get3A_963 = arith.index_cast %add3A_922 : i32 to index
            %get3A_964 = tpu.vector_load %get3A_960[%get3A_961, %get3A_962, %get3A_963] {strides = array<i32>} : memref<4x4x1024xf32, #tpu.memory_space<vmem>>, vector<1x1x16xf32>,
            %get3A_965 = vector.shape_cast %get3A_964 : vector<1x1x16xf32> to vector<16xf32>
            %add3A_966 = arith.addf %get3A_965, %get3A_930 : vector<16xf32>
            %swap3A_967 = arith.constant 1 : i32
            %swap3A_968 = arith.constant 0 : i32
            %swap3A_969 = arith.constant 0 : i32
            %swap3A_970 = arith.constant 0 : i32
            %swap3A_971 = tpu.memref_slice %run_scoped3A_10[%rem3A_268, %swap3A_968, %swap3A_969, %swap3A_970] : memref<2x4x4x1024xf32, #tpu.memory_space<vmem>> -> memref<1x4x4x1024xf32, #tpu.memory_space<vmem>>
            %swap3A_972 = tpu.memref_squeeze %swap3A_971 : memref<1x4x4x1024xf32, #tpu.memory_space<vmem>> -> memref<4x4x1024xf32, #tpu.memory_space<vmem>>
            %swap3A_973 = arith.index_cast %swap3A_967 : i32 to index
            %swap3A_974 = arith.index_cast %add3A_382 : i32 to index
            %swap3A_975 = arith.index_cast %add3A_922 : i32 to index
            %swap3A_976 = tpu.vector_load %swap3A_972[%swap3A_973, %swap3A_974, %swap3A_975] {strides = array<i32>} : memref<4x4x1024xf32, #tpu.memory_space<vmem>>, vector<1x1x16xf32>,
            %swap3A_977 = vector.shape_cast %swap3A_976 : vector<1x1x16xf32> to vector<16xf32>
            %swap3A_978 = vector.shape_cast %add3A_966 : vector<16xf32> to vector<1x1x16xf32>
            tpu.vector_store %swap3A_972[%swap3A_973, %swap3A_974, %swap3A_975], %swap3A_978 {strides = array<i32>} : memref<4x4x1024xf32, #tpu.memory_space<vmem>>, vector<1x1x16xf32>,
            %get3A_979 = arith.constant 2 : i32
            %get3A_980 = arith.constant 0 : i32
            %get3A_981 = arith.constant 0 : i32
            %get3A_982 = arith.constant 0 : i32
            %get3A_983 = tpu.memref_slice %run_scoped3A_8[%rem3A_266, %get3A_980, %get3A_981, %get3A_982] : memref<2x4x4x1024xf32, #tpu.memory_space<vmem>> -> memref<1x4x4x1024xf32, #tpu.memory_space<vmem>>
            %get3A_984 = tpu.memref_squeeze %get3A_983 : memref<1x4x4x1024xf32, #tpu.memory_space<vmem>> -> memref<4x4x1024xf32, #tpu.memory_space<vmem>>
            %get3A_985 = arith.index_cast %get3A_979 : i32 to index
            %get3A_986 = arith.index_cast %add3A_382 : i32 to index
            %get3A_987 = arith.index_cast %add3A_922 : i32 to index
            %get3A_988 = tpu.vector_load %get3A_984[%get3A_985, %get3A_986, %get3A_987] {strides = array<i32>} : memref<4x4x1024xf32, #tpu.memory_space<vmem>>, vector<1x1x16xf32>,
            %get3A_989 = vector.shape_cast %get3A_988 : vector<1x1x16xf32> to vector<16xf32>
            %add3A_990 = arith.addf %get3A_989, %get3A_930 : vector<16xf32>
            %swap3A_991 = arith.constant 2 : i32
            %swap3A_992 = arith.constant 0 : i32
            %swap3A_993 = arith.constant 0 : i32
            %swap3A_994 = arith.constant 0 : i32
            %swap3A_995 = tpu.memref_slice %run_scoped3A_10[%rem3A_268, %swap3A_992, %swap3A_993, %swap3A_994] : memref<2x4x4x1024xf32, #tpu.memory_space<vmem>> -> memref<1x4x4x1024xf32, #tpu.memory_space<vmem>>
            %swap3A_996 = tpu.memref_squeeze %swap3A_995 : memref<1x4x4x1024xf32, #tpu.memory_space<vmem>> -> memref<4x4x1024xf32, #tpu.memory_space<vmem>>
            %swap3A_997 = arith.index_cast %swap3A_991 : i32 to index
            %swap3A_998 = arith.index_cast %add3A_382 : i32 to index
            %swap3A_999 = arith.index_cast %add3A_922 : i32 to index
            %swap3A_1000 = tpu.vector_load %swap3A_996[%swap3A_997, %swap3A_998, %swap3A_999] {strides = array<i32>} : memref<4x4x1024xf32, #tpu.memory_space<vmem>>, vector<1x1x16xf32>,
            %swap3A_1001 = vector.shape_cast %swap3A_1000 : vector<1x1x16xf32> to vector<16xf32>
            %swap3A_1002 = vector.shape_cast %add3A_990 : vector<16xf32> to vector<1x1x16xf32>
            tpu.vector_store %swap3A_996[%swap3A_997, %swap3A_998, %swap3A_999], %swap3A_1002 {strides = array<i32>} : memref<4x4x1024xf32, #tpu.memory_space<vmem>>, vector<1x1x16xf32>,
            %get3A_1003 = arith.constant 3 : i32
            %get3A_1004 = arith.constant 0 : i32
            %get3A_1005 = arith.constant 0 : i32
            %get3A_1006 = arith.constant 0 : i32
            %get3A_1007 = tpu.memref_slice %run_scoped3A_8[%rem3A_266, %get3A_1004, %get3A_1005, %get3A_1006] : memref<2x4x4x1024xf32, #tpu.memory_space<vmem>> -> memref<1x4x4x1024xf32, #tpu.memory_space<vmem>>
            %get3A_1008 = tpu.memref_squeeze %get3A_1007 : memref<1x4x4x1024xf32, #tpu.memory_space<vmem>> -> memref<4x4x1024xf32, #tpu.memory_space<vmem>>
            %get3A_1009 = arith.index_cast %get3A_1003 : i32 to index
            %get3A_1010 = arith.index_cast %add3A_382 : i32 to index
            %get3A_1011 = arith.index_cast %add3A_922 : i32 to index
            %get3A_1012 = tpu.vector_load %get3A_1008[%get3A_1009, %get3A_1010, %get3A_1011] {strides = array<i32>} : memref<4x4x1024xf32, #tpu.memory_space<vmem>>, vector<1x1x16xf32>,
            %get3A_1013 = vector.shape_cast %get3A_1012 : vector<1x1x16xf32> to vector<16xf32>
            %add3A_1014 = arith.addf %get3A_1013, %get3A_930 : vector<16xf32>
            %swap3A_1015 = arith.constant 3 : i32
            %swap3A_1016 = arith.constant 0 : i32
            %swap3A_1017 = arith.constant 0 : i32
            %swap3A_1018 = arith.constant 0 : i32
            %swap3A_1019 = tpu.memref_slice %run_scoped3A_10[%rem3A_268, %swap3A_1016, %swap3A_1017, %swap3A_1018] : memref<2x4x4x1024xf32, #tpu.memory_space<vmem>> -> memref<1x4x4x1024xf32, #tpu.memory_space<vmem>>
            %swap3A_1020 = tpu.memref_squeeze %swap3A_1019 : memref<1x4x4x1024xf32, #tpu.memory_space<vmem>> -> memref<4x4x1024xf32, #tpu.memory_space<vmem>>
            %swap3A_1021 = arith.index_cast %swap3A_1015 : i32 to index
            %swap3A_1022 = arith.index_cast %add3A_382 : i32 to index
            %swap3A_1023 = arith.index_cast %add3A_922 : i32 to index
            %swap3A_1024 = tpu.vector_load %swap3A_1020[%swap3A_1021, %swap3A_1022, %swap3A_1023] {strides = array<i32>} : memref<4x4x1024xf32, #tpu.memory_space<vmem>>, vector<1x1x16xf32>,
            %swap3A_1025 = vector.shape_cast %swap3A_1024 : vector<1x1x16xf32> to vector<16xf32>
            %swap3A_1026 = vector.shape_cast %add3A_1014 : vector<16xf32> to vector<1x1x16xf32>
            tpu.vector_store %swap3A_1020[%swap3A_1021, %swap3A_1022, %swap3A_1023], %swap3A_1026 {strides = array<i32>} : memref<4x4x1024xf32, #tpu.memory_space<vmem>>, vector<1x1x16xf32>,
            %add3A_1027 = arith.constant 96 : i32
            %add3A_1028 = arith.addi %add3A_392, %add3A_1027 : i32
            %get3A_1029 = arith.constant 0 : i32
            %get3A_1030 = arith.constant 0 : i32
            %get3A_1031 = tpu.memref_slice %run_scoped3A[%rem3A_264, %get3A_1029, %get3A_1030] : memref<2x4x1024xf32, #tpu.memory_space<vmem>> -> memref<1x4x1024xf32, #tpu.memory_space<vmem>>
            %get3A_1032 = tpu.memref_squeeze %get3A_1031 : memref<1x4x1024xf32, #tpu.memory_space<vmem>> -> memref<4x1024xf32, #tpu.memory_space<vmem>>
            %get3A_1033 = arith.index_cast %add3A_382 : i32 to index
            %get3A_1034 = arith.index_cast %add3A_1028 : i32 to index
            %get3A_1035 = tpu.vector_load %get3A_1032[%get3A_1033, %get3A_1034] {strides = array<i32>} : memref<4x1024xf32, #tpu.memory_space<vmem>>, vector<1x16xf32>,
            %get3A_1036 = vector.shape_cast %get3A_1035 : vector<1x16xf32> to vector<16xf32>
            %get3A_1037 = arith.constant 0 : i32
            %get3A_1038 = arith.constant 0 : i32
            %get3A_1039 = arith.constant 0 : i32
            %get3A_1040 = arith.constant 0 : i32
            %get3A_1041 = tpu.memref_slice %run_scoped3A_8[%rem3A_266, %get3A_1038, %get3A_1039, %get3A_1040] : memref<2x4x4x1024xf32, #tpu.memory_space<vmem>> -> memref<1x4x4x1024xf32, #tpu.memory_space<vmem>>
            %get3A_1042 = tpu.memref_squeeze %get3A_1041 : memref<1x4x4x1024xf32, #tpu.memory_space<vmem>> -> memref<4x4x1024xf32, #tpu.memory_space<vmem>>
            %get3A_1043 = arith.index_cast %get3A_1037 : i32 to index
            %get3A_1044 = arith.index_cast %add3A_382 : i32 to index
            %get3A_1045 = arith.index_cast %add3A_1028 : i32 to index
            %get3A_1046 = tpu.vector_load %get3A_1042[%get3A_1043, %get3A_1044, %get3A_1045] {strides = array<i32>} : memref<4x4x1024xf32, #tpu.memory_space<vmem>>, vector<1x1x16xf32>,
            %get3A_1047 = vector.shape_cast %get3A_1046 : vector<1x1x16xf32> to vector<16xf32>
            %add3A_1048 = arith.addf %get3A_1047, %get3A_1036 : vector<16xf32>
            %swap3A_1049 = arith.constant 0 : i32
            %swap3A_1050 = arith.constant 0 : i32
            %swap3A_1051 = arith.constant 0 : i32
            %swap3A_1052 = arith.constant 0 : i32
            %swap3A_1053 = tpu.memref_slice %run_scoped3A_10[%rem3A_268, %swap3A_1050, %swap3A_1051, %swap3A_1052] : memref<2x4x4x1024xf32, #tpu.memory_space<vmem>> -> memref<1x4x4x1024xf32, #tpu.memory_space<vmem>>
            %swap3A_1054 = tpu.memref_squeeze %swap3A_1053 : memref<1x4x4x1024xf32, #tpu.memory_space<vmem>> -> memref<4x4x1024xf32, #tpu.memory_space<vmem>>
            %swap3A_1055 = arith.index_cast %swap3A_1049 : i32 to index
            %swap3A_1056 = arith.index_cast %add3A_382 : i32 to index
            %swap3A_1057 = arith.index_cast %add3A_1028 : i32 to index
            %swap3A_1058 = tpu.vector_load %swap3A_1054[%swap3A_1055, %swap3A_1056, %swap3A_1057] {strides = array<i32>} : memref<4x4x1024xf32, #tpu.memory_space<vmem>>, vector<1x1x16xf32>,
            %swap3A_1059 = vector.shape_cast %swap3A_1058 : vector<1x1x16xf32> to vector<16xf32>
            %swap3A_1060 = vector.shape_cast %add3A_1048 : vector<16xf32> to vector<1x1x16xf32>
            tpu.vector_store %swap3A_1054[%swap3A_1055, %swap3A_1056, %swap3A_1057], %swap3A_1060 {strides = array<i32>} : memref<4x4x1024xf32, #tpu.memory_space<vmem>>, vector<1x1x16xf32>,
            %get3A_1061 = arith.constant 1 : i32
            %get3A_1062 = arith.constant 0 : i32
            %get3A_1063 = arith.constant 0 : i32
            %get3A_1064 = arith.constant 0 : i32
            %get3A_1065 = tpu.memref_slice %run_scoped3A_8[%rem3A_266, %get3A_1062, %get3A_1063, %get3A_1064] : memref<2x4x4x1024xf32, #tpu.memory_space<vmem>> -> memref<1x4x4x1024xf32, #tpu.memory_space<vmem>>
            %get3A_1066 = tpu.memref_squeeze %get3A_1065 : memref<1x4x4x1024xf32, #tpu.memory_space<vmem>> -> memref<4x4x1024xf32, #tpu.memory_space<vmem>>
            %get3A_1067 = arith.index_cast %get3A_1061 : i32 to index
            %get3A_1068 = arith.index_cast %add3A_382 : i32 to index
            %get3A_1069 = arith.index_cast %add3A_1028 : i32 to index
            %get3A_1070 = tpu.vector_load %get3A_1066[%get3A_1067, %get3A_1068, %get3A_1069] {strides = array<i32>} : memref<4x4x1024xf32, #tpu.memory_space<vmem>>, vector<1x1x16xf32>,
            %get3A_1071 = vector.shape_cast %get3A_1070 : vector<1x1x16xf32> to vector<16xf32>
            %add3A_1072 = arith.addf %get3A_1071, %get3A_1036 : vector<16xf32>
            %swap3A_1073 = arith.constant 1 : i32
            %swap3A_1074 = arith.constant 0 : i32
            %swap3A_1075 = arith.constant 0 : i32
            %swap3A_1076 = arith.constant 0 : i32
            %swap3A_1077 = tpu.memref_slice %run_scoped3A_10[%rem3A_268, %swap3A_1074, %swap3A_1075, %swap3A_1076] : memref<2x4x4x1024xf32, #tpu.memory_space<vmem>> -> memref<1x4x4x1024xf32, #tpu.memory_space<vmem>>
            %swap3A_1078 = tpu.memref_squeeze %swap3A_1077 : memref<1x4x4x1024xf32, #tpu.memory_space<vmem>> -> memref<4x4x1024xf32, #tpu.memory_space<vmem>>
            %swap3A_1079 = arith.index_cast %swap3A_1073 : i32 to index
            %swap3A_1080 = arith.index_cast %add3A_382 : i32 to index
            %swap3A_1081 = arith.index_cast %add3A_1028 : i32 to index
            %swap3A_1082 = tpu.vector_load %swap3A_1078[%swap3A_1079, %swap3A_1080, %swap3A_1081] {strides = array<i32>} : memref<4x4x1024xf32, #tpu.memory_space<vmem>>, vector<1x1x16xf32>,
            %swap3A_1083 = vector.shape_cast %swap3A_1082 : vector<1x1x16xf32> to vector<16xf32>
            %swap3A_1084 = vector.shape_cast %add3A_1072 : vector<16xf32> to vector<1x1x16xf32>
            tpu.vector_store %swap3A_1078[%swap3A_1079, %swap3A_1080, %swap3A_1081], %swap3A_1084 {strides = array<i32>} : memref<4x4x1024xf32, #tpu.memory_space<vmem>>, vector<1x1x16xf32>,
            %get3A_1085 = arith.constant 2 : i32
            %get3A_1086 = arith.constant 0 : i32
            %get3A_1087 = arith.constant 0 : i32
            %get3A_1088 = arith.constant 0 : i32
            %get3A_1089 = tpu.memref_slice %run_scoped3A_8[%rem3A_266, %get3A_1086, %get3A_1087, %get3A_1088] : memref<2x4x4x1024xf32, #tpu.memory_space<vmem>> -> memref<1x4x4x1024xf32, #tpu.memory_space<vmem>>
            %get3A_1090 = tpu.memref_squeeze %get3A_1089 : memref<1x4x4x1024xf32, #tpu.memory_space<vmem>> -> memref<4x4x1024xf32, #tpu.memory_space<vmem>>
            %get3A_1091 = arith.index_cast %get3A_1085 : i32 to index
            %get3A_1092 = arith.index_cast %add3A_382 : i32 to index
            %get3A_1093 = arith.index_cast %add3A_1028 : i32 to index
            %get3A_1094 = tpu.vector_load %get3A_1090[%get3A_1091, %get3A_1092, %get3A_1093] {strides = array<i32>} : memref<4x4x1024xf32, #tpu.memory_space<vmem>>, vector<1x1x16xf32>,
            %get3A_1095 = vector.shape_cast %get3A_1094 : vector<1x1x16xf32> to vector<16xf32>
            %add3A_1096 = arith.addf %get3A_1095, %get3A_1036 : vector<16xf32>
            %swap3A_1097 = arith.constant 2 : i32
            %swap3A_1098 = arith.constant 0 : i32
            %swap3A_1099 = arith.constant 0 : i32
            %swap3A_1100 = arith.constant 0 : i32
            %swap3A_1101 = tpu.memref_slice %run_scoped3A_10[%rem3A_268, %swap3A_1098, %swap3A_1099, %swap3A_1100] : memref<2x4x4x1024xf32, #tpu.memory_space<vmem>> -> memref<1x4x4x1024xf32, #tpu.memory_space<vmem>>
            %swap3A_1102 = tpu.memref_squeeze %swap3A_1101 : memref<1x4x4x1024xf32, #tpu.memory_space<vmem>> -> memref<4x4x1024xf32, #tpu.memory_space<vmem>>
            %swap3A_1103 = arith.index_cast %swap3A_1097 : i32 to index
            %swap3A_1104 = arith.index_cast %add3A_382 : i32 to index
            %swap3A_1105 = arith.index_cast %add3A_1028 : i32 to index
            %swap3A_1106 = tpu.vector_load %swap3A_1102[%swap3A_1103, %swap3A_1104, %swap3A_1105] {strides = array<i32>} : memref<4x4x1024xf32, #tpu.memory_space<vmem>>, vector<1x1x16xf32>,
            %swap3A_1107 = vector.shape_cast %swap3A_1106 : vector<1x1x16xf32> to vector<16xf32>
            %swap3A_1108 = vector.shape_cast %add3A_1096 : vector<16xf32> to vector<1x1x16xf32>
            tpu.vector_store %swap3A_1102[%swap3A_1103, %swap3A_1104, %swap3A_1105], %swap3A_1108 {strides = array<i32>} : memref<4x4x1024xf32, #tpu.memory_space<vmem>>, vector<1x1x16xf32>,
            %get3A_1109 = arith.constant 3 : i32
            %get3A_1110 = arith.constant 0 : i32
            %get3A_1111 = arith.constant 0 : i32
            %get3A_1112 = arith.constant 0 : i32
            %get3A_1113 = tpu.memref_slice %run_scoped3A_8[%rem3A_266, %get3A_1110, %get3A_1111, %get3A_1112] : memref<2x4x4x1024xf32, #tpu.memory_space<vmem>> -> memref<1x4x4x1024xf32, #tpu.memory_space<vmem>>
            %get3A_1114 = tpu.memref_squeeze %get3A_1113 : memref<1x4x4x1024xf32, #tpu.memory_space<vmem>> -> memref<4x4x1024xf32, #tpu.memory_space<vmem>>
            %get3A_1115 = arith.index_cast %get3A_1109 : i32 to index
            %get3A_1116 = arith.index_cast %add3A_382 : i32 to index
            %get3A_1117 = arith.index_cast %add3A_1028 : i32 to index
            %get3A_1118 = tpu.vector_load %get3A_1114[%get3A_1115, %get3A_1116, %get3A_1117] {strides = array<i32>} : memref<4x4x1024xf32, #tpu.memory_space<vmem>>, vector<1x1x16xf32>,
            %get3A_1119 = vector.shape_cast %get3A_1118 : vector<1x1x16xf32> to vector<16xf32>
            %add3A_1120 = arith.addf %get3A_1119, %get3A_1036 : vector<16xf32>
            %swap3A_1121 = arith.constant 3 : i32
            %swap3A_1122 = arith.constant 0 : i32
            %swap3A_1123 = arith.constant 0 : i32
            %swap3A_1124 = arith.constant 0 : i32
            %swap3A_1125 = tpu.memref_slice %run_scoped3A_10[%rem3A_268, %swap3A_1122, %swap3A_1123, %swap3A_1124] : memref<2x4x4x1024xf32, #tpu.memory_space<vmem>> -> memref<1x4x4x1024xf32, #tpu.memory_space<vmem>>
            %swap3A_1126 = tpu.memref_squeeze %swap3A_1125 : memref<1x4x4x1024xf32, #tpu.memory_space<vmem>> -> memref<4x4x1024xf32, #tpu.memory_space<vmem>>
            %swap3A_1127 = arith.index_cast %swap3A_1121 : i32 to index
            %swap3A_1128 = arith.index_cast %add3A_382 : i32 to index
            %swap3A_1129 = arith.index_cast %add3A_1028 : i32 to index
            %swap3A_1130 = tpu.vector_load %swap3A_1126[%swap3A_1127, %swap3A_1128, %swap3A_1129] {strides = array<i32>} : memref<4x4x1024xf32, #tpu.memory_space<vmem>>, vector<1x1x16xf32>,
            %swap3A_1131 = vector.shape_cast %swap3A_1130 : vector<1x1x16xf32> to vector<16xf32>
            %swap3A_1132 = vector.shape_cast %add3A_1120 : vector<16xf32> to vector<1x1x16xf32>
            tpu.vector_store %swap3A_1126[%swap3A_1127, %swap3A_1128, %swap3A_1129], %swap3A_1132 {strides = array<i32>} : memref<4x4x1024xf32, #tpu.memory_space<vmem>>, vector<1x1x16xf32>,
            %add3A_1133 = arith.constant 112 : i32
            %add3A_1134 = arith.addi %add3A_392, %add3A_1133 : i32
            %get3A_1135 = arith.constant 0 : i32
            %get3A_1136 = arith.constant 0 : i32
            %get3A_1137 = tpu.memref_slice %run_scoped3A[%rem3A_264, %get3A_1135, %get3A_1136] : memref<2x4x1024xf32, #tpu.memory_space<vmem>> -> memref<1x4x1024xf32, #tpu.memory_space<vmem>>
            %get3A_1138 = tpu.memref_squeeze %get3A_1137 : memref<1x4x1024xf32, #tpu.memory_space<vmem>> -> memref<4x1024xf32, #tpu.memory_space<vmem>>
            %get3A_1139 = arith.index_cast %add3A_382 : i32 to index
            %get3A_1140 = arith.index_cast %add3A_1134 : i32 to index
            %get3A_1141 = tpu.vector_load %get3A_1138[%get3A_1139, %get3A_1140] {strides = array<i32>} : memref<4x1024xf32, #tpu.memory_space<vmem>>, vector<1x16xf32>,
            %get3A_1142 = vector.shape_cast %get3A_1141 : vector<1x16xf32> to vector<16xf32>
            %get3A_1143 = arith.constant 0 : i32
            %get3A_1144 = arith.constant 0 : i32
            %get3A_1145 = arith.constant 0 : i32
            %get3A_1146 = arith.constant 0 : i32
            %get3A_1147 = tpu.memref_slice %run_scoped3A_8[%rem3A_266, %get3A_1144, %get3A_1145, %get3A_1146] : memref<2x4x4x1024xf32, #tpu.memory_space<vmem>> -> memref<1x4x4x1024xf32, #tpu.memory_space<vmem>>
            %get3A_1148 = tpu.memref_squeeze %get3A_1147 : memref<1x4x4x1024xf32, #tpu.memory_space<vmem>> -> memref<4x4x1024xf32, #tpu.memory_space<vmem>>
            %get3A_1149 = arith.index_cast %get3A_1143 : i32 to index
            %get3A_1150 = arith.index_cast %add3A_382 : i32 to index
            %get3A_1151 = arith.index_cast %add3A_1134 : i32 to index
            %get3A_1152 = tpu.vector_load %get3A_1148[%get3A_1149, %get3A_1150, %get3A_1151] {strides = array<i32>} : memref<4x4x1024xf32, #tpu.memory_space<vmem>>, vector<1x1x16xf32>,
            %get3A_1153 = vector.shape_cast %get3A_1152 : vector<1x1x16xf32> to vector<16xf32>
            %add3A_1154 = arith.addf %get3A_1153, %get3A_1142 : vector<16xf32>
            %swap3A_1155 = arith.constant 0 : i32
            %swap3A_1156 = arith.constant 0 : i32
            %swap3A_1157 = arith.constant 0 : i32
            %swap3A_1158 = arith.constant 0 : i32
            %swap3A_1159 = tpu.memref_slice %run_scoped3A_10[%rem3A_268, %swap3A_1156, %swap3A_1157, %swap3A_1158] : memref<2x4x4x1024xf32, #tpu.memory_space<vmem>> -> memref<1x4x4x1024xf32, #tpu.memory_space<vmem>>
            %swap3A_1160 = tpu.memref_squeeze %swap3A_1159 : memref<1x4x4x1024xf32, #tpu.memory_space<vmem>> -> memref<4x4x1024xf32, #tpu.memory_space<vmem>>
            %swap3A_1161 = arith.index_cast %swap3A_1155 : i32 to index
            %swap3A_1162 = arith.index_cast %add3A_382 : i32 to index
            %swap3A_1163 = arith.index_cast %add3A_1134 : i32 to index
            %swap3A_1164 = tpu.vector_load %swap3A_1160[%swap3A_1161, %swap3A_1162, %swap3A_1163] {strides = array<i32>} : memref<4x4x1024xf32, #tpu.memory_space<vmem>>, vector<1x1x16xf32>,
            %swap3A_1165 = vector.shape_cast %swap3A_1164 : vector<1x1x16xf32> to vector<16xf32>
            %swap3A_1166 = vector.shape_cast %add3A_1154 : vector<16xf32> to vector<1x1x16xf32>
            tpu.vector_store %swap3A_1160[%swap3A_1161, %swap3A_1162, %swap3A_1163], %swap3A_1166 {strides = array<i32>} : memref<4x4x1024xf32, #tpu.memory_space<vmem>>, vector<1x1x16xf32>,
            %get3A_1167 = arith.constant 1 : i32
            %get3A_1168 = arith.constant 0 : i32
            %get3A_1169 = arith.constant 0 : i32
            %get3A_1170 = arith.constant 0 : i32
            %get3A_1171 = tpu.memref_slice %run_scoped3A_8[%rem3A_266, %get3A_1168, %get3A_1169, %get3A_1170] : memref<2x4x4x1024xf32, #tpu.memory_space<vmem>> -> memref<1x4x4x1024xf32, #tpu.memory_space<vmem>>
            %get3A_1172 = tpu.memref_squeeze %get3A_1171 : memref<1x4x4x1024xf32, #tpu.memory_space<vmem>> -> memref<4x4x1024xf32, #tpu.memory_space<vmem>>
            %get3A_1173 = arith.index_cast %get3A_1167 : i32 to index
            %get3A_1174 = arith.index_cast %add3A_382 : i32 to index
            %get3A_1175 = arith.index_cast %add3A_1134 : i32 to index
            %get3A_1176 = tpu.vector_load %get3A_1172[%get3A_1173, %get3A_1174, %get3A_1175] {strides = array<i32>} : memref<4x4x1024xf32, #tpu.memory_space<vmem>>, vector<1x1x16xf32>,
            %get3A_1177 = vector.shape_cast %get3A_1176 : vector<1x1x16xf32> to vector<16xf32>
            %add3A_1178 = arith.addf %get3A_1177, %get3A_1142 : vector<16xf32>
            %swap3A_1179 = arith.constant 1 : i32
            %swap3A_1180 = arith.constant 0 : i32
            %swap3A_1181 = arith.constant 0 : i32
            %swap3A_1182 = arith.constant 0 : i32
            %swap3A_1183 = tpu.memref_slice %run_scoped3A_10[%rem3A_268, %swap3A_1180, %swap3A_1181, %swap3A_1182] : memref<2x4x4x1024xf32, #tpu.memory_space<vmem>> -> memref<1x4x4x1024xf32, #tpu.memory_space<vmem>>
            %swap3A_1184 = tpu.memref_squeeze %swap3A_1183 : memref<1x4x4x1024xf32, #tpu.memory_space<vmem>> -> memref<4x4x1024xf32, #tpu.memory_space<vmem>>
            %swap3A_1185 = arith.index_cast %swap3A_1179 : i32 to index
            %swap3A_1186 = arith.index_cast %add3A_382 : i32 to index
            %swap3A_1187 = arith.index_cast %add3A_1134 : i32 to index
            %swap3A_1188 = tpu.vector_load %swap3A_1184[%swap3A_1185, %swap3A_1186, %swap3A_1187] {strides = array<i32>} : memref<4x4x1024xf32, #tpu.memory_space<vmem>>, vector<1x1x16xf32>,
            %swap3A_1189 = vector.shape_cast %swap3A_1188 : vector<1x1x16xf32> to vector<16xf32>
            %swap3A_1190 = vector.shape_cast %add3A_1178 : vector<16xf32> to vector<1x1x16xf32>
            tpu.vector_store %swap3A_1184[%swap3A_1185, %swap3A_1186, %swap3A_1187], %swap3A_1190 {strides = array<i32>} : memref<4x4x1024xf32, #tpu.memory_space<vmem>>, vector<1x1x16xf32>,
            %get3A_1191 = arith.constant 2 : i32
            %get3A_1192 = arith.constant 0 : i32
            %get3A_1193 = arith.constant 0 : i32
            %get3A_1194 = arith.constant 0 : i32
            %get3A_1195 = tpu.memref_slice %run_scoped3A_8[%rem3A_266, %get3A_1192, %get3A_1193, %get3A_1194] : memref<2x4x4x1024xf32, #tpu.memory_space<vmem>> -> memref<1x4x4x1024xf32, #tpu.memory_space<vmem>>
            %get3A_1196 = tpu.memref_squeeze %get3A_1195 : memref<1x4x4x1024xf32, #tpu.memory_space<vmem>> -> memref<4x4x1024xf32, #tpu.memory_space<vmem>>
            %get3A_1197 = arith.index_cast %get3A_1191 : i32 to index
            %get3A_1198 = arith.index_cast %add3A_382 : i32 to index
            %get3A_1199 = arith.index_cast %add3A_1134 : i32 to index
            %get3A_1200 = tpu.vector_load %get3A_1196[%get3A_1197, %get3A_1198, %get3A_1199] {strides = array<i32>} : memref<4x4x1024xf32, #tpu.memory_space<vmem>>, vector<1x1x16xf32>,
            %get3A_1201 = vector.shape_cast %get3A_1200 : vector<1x1x16xf32> to vector<16xf32>
            %add3A_1202 = arith.addf %get3A_1201, %get3A_1142 : vector<16xf32>
            %swap3A_1203 = arith.constant 2 : i32
            %swap3A_1204 = arith.constant 0 : i32
            %swap3A_1205 = arith.constant 0 : i32
            %swap3A_1206 = arith.constant 0 : i32
            %swap3A_1207 = tpu.memref_slice %run_scoped3A_10[%rem3A_268, %swap3A_1204, %swap3A_1205, %swap3A_1206] : memref<2x4x4x1024xf32, #tpu.memory_space<vmem>> -> memref<1x4x4x1024xf32, #tpu.memory_space<vmem>>
            %swap3A_1208 = tpu.memref_squeeze %swap3A_1207 : memref<1x4x4x1024xf32, #tpu.memory_space<vmem>> -> memref<4x4x1024xf32, #tpu.memory_space<vmem>>
            %swap3A_1209 = arith.index_cast %swap3A_1203 : i32 to index
            %swap3A_1210 = arith.index_cast %add3A_382 : i32 to index
            %swap3A_1211 = arith.index_cast %add3A_1134 : i32 to index
            %swap3A_1212 = tpu.vector_load %swap3A_1208[%swap3A_1209, %swap3A_1210, %swap3A_1211] {strides = array<i32>} : memref<4x4x1024xf32, #tpu.memory_space<vmem>>, vector<1x1x16xf32>,
            %swap3A_1213 = vector.shape_cast %swap3A_1212 : vector<1x1x16xf32> to vector<16xf32>
            %swap3A_1214 = vector.shape_cast %add3A_1202 : vector<16xf32> to vector<1x1x16xf32>
            tpu.vector_store %swap3A_1208[%swap3A_1209, %swap3A_1210, %swap3A_1211], %swap3A_1214 {strides = array<i32>} : memref<4x4x1024xf32, #tpu.memory_space<vmem>>, vector<1x1x16xf32>,
            %get3A_1215 = arith.constant 3 : i32
            %get3A_1216 = arith.constant 0 : i32
            %get3A_1217 = arith.constant 0 : i32
            %get3A_1218 = arith.constant 0 : i32
            %get3A_1219 = tpu.memref_slice %run_scoped3A_8[%rem3A_266, %get3A_1216, %get3A_1217, %get3A_1218] : memref<2x4x4x1024xf32, #tpu.memory_space<vmem>> -> memref<1x4x4x1024xf32, #tpu.memory_space<vmem>>
            %get3A_1220 = tpu.memref_squeeze %get3A_1219 : memref<1x4x4x1024xf32, #tpu.memory_space<vmem>> -> memref<4x4x1024xf32, #tpu.memory_space<vmem>>
            %get3A_1221 = arith.index_cast %get3A_1215 : i32 to index
            %get3A_1222 = arith.index_cast %add3A_382 : i32 to index
            %get3A_1223 = arith.index_cast %add3A_1134 : i32 to index
            %get3A_1224 = tpu.vector_load %get3A_1220[%get3A_1221, %get3A_1222, %get3A_1223] {strides = array<i32>} : memref<4x4x1024xf32, #tpu.memory_space<vmem>>, vector<1x1x16xf32>,
            %get3A_1225 = vector.shape_cast %get3A_1224 : vector<1x1x16xf32> to vector<16xf32>
            %add3A_1226 = arith.addf %get3A_1225, %get3A_1142 : vector<16xf32>
            %swap3A_1227 = arith.constant 3 : i32
            %swap3A_1228 = arith.constant 0 : i32
            %swap3A_1229 = arith.constant 0 : i32
            %swap3A_1230 = arith.constant 0 : i32
            %swap3A_1231 = tpu.memref_slice %run_scoped3A_10[%rem3A_268, %swap3A_1228, %swap3A_1229, %swap3A_1230] : memref<2x4x4x1024xf32, #tpu.memory_space<vmem>> -> memref<1x4x4x1024xf32, #tpu.memory_space<vmem>>
            %swap3A_1232 = tpu.memref_squeeze %swap3A_1231 : memref<1x4x4x1024xf32, #tpu.memory_space<vmem>> -> memref<4x4x1024xf32, #tpu.memory_space<vmem>>
            %swap3A_1233 = arith.index_cast %swap3A_1227 : i32 to index
            %swap3A_1234 = arith.index_cast %add3A_382 : i32 to index
            %swap3A_1235 = arith.index_cast %add3A_1134 : i32 to index
            %swap3A_1236 = tpu.vector_load %swap3A_1232[%swap3A_1233, %swap3A_1234, %swap3A_1235] {strides = array<i32>} : memref<4x4x1024xf32, #tpu.memory_space<vmem>>, vector<1x1x16xf32>,
            %swap3A_1237 = vector.shape_cast %swap3A_1236 : vector<1x1x16xf32> to vector<16xf32>
            %swap3A_1238 = vector.shape_cast %add3A_1226 : vector<16xf32> to vector<1x1x16xf32>
            tpu.vector_store %swap3A_1232[%swap3A_1233, %swap3A_1234, %swap3A_1235], %swap3A_1238 {strides = array<i32>} : memref<4x4x1024xf32, #tpu.memory_space<vmem>>, vector<1x1x16xf32>,
          }
          %scan3A_387 = arith.constant 8 : i32
        }
        %scan3A_273 = arith.constant 4 : i32
        "tpu.trace_stop"() : () -> ()
        %ne3A_274 = arith.cmpi ne, %add3A_169, %add3A_187 : i32
        %or3A_275 = arith.constant false
        %or3A_276 = arith.ori %or3A_275, %ne3A_274 : i1
        %or3A_277 = arith.constant false
        %or3A_278 = arith.ori %or3A_276, %or3A_277 : i1
        %or3A_279 = arith.ori %or3A_278, %eq3A_168 : i1
        %convert_element_type3A_280 = arith.extui %or3A_279 : i1 to i32
        %cond3A_281 = arith.constant 0 : i32
        %cond3A_282 = arith.cmpi ne, %convert_element_type3A_280, %cond3A_281 : i32
        scf.if %cond3A_282 {
        } else {
        }
        %and3A_283 = arith.constant false
        %and3A_284 = arith.andi %or3A_279, %and3A_283 : i1
        %ne3A_285 = arith.cmpi ne, %add3A_169, %add3A_187 : i32
        %or3A_286 = arith.constant false
        %or3A_287 = arith.ori %or3A_286, %ne3A_285 : i1
        %or3A_288 = arith.constant false
        %or3A_289 = arith.ori %or3A_287, %or3A_288 : i1
        %or3A_290 = arith.ori %or3A_289, %eq3A_168 : i1
        %convert_element_type3A_291 = arith.extui %or3A_290 : i1 to i32
        %cond3A_292 = arith.constant 0 : i32
        %cond3A_293 = arith.cmpi ne, %convert_element_type3A_291, %cond3A_292 : i32
        scf.if %cond3A_293 {
        } else {
        }
        %and3A_294 = arith.constant false
        %and3A_295 = arith.andi %or3A_290, %and3A_294 : i1
        %ne3A_296 = arith.cmpi ne, %add3A_169, %add3A_187 : i32
        %or3A_297 = arith.constant false
        %or3A_298 = arith.ori %or3A_297, %ne3A_296 : i1
        %or3A_299 = arith.constant false
        %or3A_300 = arith.ori %or3A_298, %or3A_299 : i1
        %or3A_301 = arith.ori %or3A_300, %eq3A_168 : i1
        %convert_element_type3A_302 = arith.extui %or3A_301 : i1 to i32
        %cond3A_303 = arith.constant 0 : i32
        %cond3A_304 = arith.cmpi ne, %convert_element_type3A_302, %cond3A_303 : i32
        scf.if %cond3A_304 {
          "tpu.trace_start"() <{level = 10 : i32, message = "ep_copy_out"}> : () -> ()
          %rem3A_378 = arith.constant 2 : i32
          %rem3A_379 = arith.remui %scan3A_162, %rem3A_378 : i32
          %mul3A_380 = arith.constant 4 : i32
          %mul3A_381 = arith.muli %mul3A_380, %add3A_169 : i32
          %dma_start3A_382 = arith.constant 0 : i32
          %dma_start3A_383 = arith.constant 0 : i32
          %dma_start3A_384 = arith.constant 0 : i32
          %dma_start3A_385 = tpu.memref_slice %run_scoped3A_10[%rem3A_379, %dma_start3A_382, %dma_start3A_383, %dma_start3A_384] : memref<2x4x4x1024xf32, #tpu.memory_space<vmem>> -> memref<1x4x4x1024xf32, #tpu.memory_space<vmem>>
          %dma_start3A_386 = tpu.memref_squeeze %dma_start3A_385 : memref<1x4x4x1024xf32, #tpu.memory_space<vmem>> -> memref<4x4x1024xf32, #tpu.memory_space<vmem>>
          %dma_start3A_387 = arith.constant 0 : i32
          %dma_start3A_388 = arith.constant 0 : i32
          %dma_start3A_389 = tpu.memref_slice %arg4[%dma_start3A_387, %mul3A_381, %dma_start3A_388] : memref<4x4096x1024xf32, #tpu.memory_space<hbm>> -> memref<4x4x1024xf32, #tpu.memory_space<hbm>>
          %dma_start3A_390 = tpu.memref_slice %run_scoped3A_11[%rem3A_379] : memref<2x!tpu.dma_semaphore, #tpu.memory_space<semaphore_mem>> -> memref<1x!tpu.dma_semaphore, #tpu.memory_space<semaphore_mem>>
          %dma_start3A_391 = tpu.memref_squeeze %dma_start3A_390 : memref<1x!tpu.dma_semaphore, #tpu.memory_space<semaphore_mem>> -> memref<!tpu.dma_semaphore, #tpu.memory_space<semaphore_mem>>
          %dma_start3A_392 = arith.constant 0 : i32
          %dma_start3A_393 = arith.constant 0 : i32
          %dma_start3A_394 = tpu.memref_slice %arg4[%dma_start3A_392, %mul3A_381, %dma_start3A_393] : memref<4x4096x1024xf32, #tpu.memory_space<hbm>> -> memref<4x4x1024xf32, #tpu.memory_space<hbm>>
          %dma_start3A_395 = arith.constant 0 : i32
          %dma_start3A_396 = arith.constant 0 : i32
          %dma_start3A_397 = arith.constant 0 : i32
          %dma_start3A_398 = tpu.memref_slice %run_scoped3A_10[%rem3A_379, %dma_start3A_395, %dma_start3A_396, %dma_start3A_397] : memref<2x4x4x1024xf32, #tpu.memory_space<vmem>> -> memref<1x4x4x1024xf32, #tpu.memory_space<vmem>>
          %dma_start3A_399 = tpu.memref_squeeze %dma_start3A_398 : memref<1x4x4x1024xf32, #tpu.memory_space<vmem>> -> memref<4x4x1024xf32, #tpu.memory_space<vmem>>
          tpu.enqueue_dma source(%dma_start3A_399 : memref<4x4x1024xf32, #tpu.memory_space<vmem>>) target(%dma_start3A_394 : memref<4x4x1024xf32, #tpu.memory_space<hbm>>) target_semaphore(%dma_start3A_391 : memref<!tpu.dma_semaphore, #tpu.memory_space<semaphore_mem>>)
          "tpu.trace_stop"() : () -> ()
        } else {
        }
        %and3A_305 = arith.constant true
        %and3A_306 = arith.andi %or3A_301, %and3A_305 : i1
        %add3A_307 = arith.constant 1 : i32
        %add3A_308 = arith.addi %scan3A_162, %add3A_307 : i32
        %select_n3A_309 = arith.select %and3A_306, %add3A_308, %scan3A_162 : i32
        %ne3A_310 = arith.cmpi ne, %add3A_169, %add3A_178 : i32
        %or3A_311 = arith.constant false
        %or3A_312 = arith.ori %or3A_311, %ne3A_310 : i1
        %or3A_313 = arith.constant false
        %or3A_314 = arith.ori %or3A_312, %or3A_313 : i1
        %not3A_315 = arith.constant true
        %not3A_316 = arith.xori %eq3A_166, %not3A_315 : i1
        %and3A_317 = arith.andi %or3A_314, %not3A_316 : i1
        %convert_element_type3A_318 = arith.extui %and3A_317 : i1 to i32
        %cond3A_319 = arith.constant 0 : i32
        %cond3A_320 = arith.cmpi ne, %convert_element_type3A_318, %cond3A_319 : i32
        scf.if %cond3A_320 {
        } else {
        }
        %and3A_321 = arith.constant false
        %and3A_322 = arith.andi %and3A_317, %and3A_321 : i1
        %ne3A_323 = arith.cmpi ne, %add3A_169, %add3A_178 : i32
        %or3A_324 = arith.constant false
        %or3A_325 = arith.ori %or3A_324, %ne3A_323 : i1
        %or3A_326 = arith.constant false
        %or3A_327 = arith.ori %or3A_325, %or3A_326 : i1
        %not3A_328 = arith.constant true
        %not3A_329 = arith.xori %eq3A_166, %not3A_328 : i1
        %and3A_330 = arith.andi %or3A_327, %not3A_329 : i1
        %convert_element_type3A_331 = arith.extui %and3A_330 : i1 to i32
        %cond3A_332 = arith.constant 0 : i32
        %cond3A_333 = arith.cmpi ne, %convert_element_type3A_331, %cond3A_332 : i32
        scf.if %cond3A_333 {
        } else {
        }
        %and3A_334 = arith.constant false
        %and3A_335 = arith.andi %and3A_330, %and3A_334 : i1
        %ne3A_336 = arith.cmpi ne, %add3A_169, %add3A_178 : i32
        %or3A_337 = arith.constant false
        %or3A_338 = arith.ori %or3A_337, %ne3A_336 : i1
        %or3A_339 = arith.constant false
        %or3A_340 = arith.ori %or3A_338, %or3A_339 : i1
        %not3A_341 = arith.constant true
        %not3A_342 = arith.xori %eq3A_166, %not3A_341 : i1
        %and3A_343 = arith.andi %or3A_340, %not3A_342 : i1
        %convert_element_type3A_344 = arith.extui %and3A_343 : i1 to i32
        %cond3A_345 = arith.constant 0 : i32
        %cond3A_346 = arith.cmpi ne, %convert_element_type3A_344, %cond3A_345 : i32
        scf.if %cond3A_346 {
          "tpu.trace_start"() <{level = 10 : i32, message = "ep_wait_out"}> : () -> ()
          %rem3A_378 = arith.constant 2 : i32
          %rem3A_379 = arith.remui %scan3A_163, %rem3A_378 : i32
          %mul3A_380 = arith.constant 4 : i32
          %mul3A_381 = arith.muli %mul3A_380, %add3A_178 : i32
          %dma_wait3A_382 = arith.constant 0 : i32
          %dma_wait3A_383 = arith.constant 0 : i32
          %dma_wait3A_384 = arith.constant 0 : i32
          %dma_wait3A_385 = tpu.memref_slice %run_scoped3A_10[%rem3A_379, %dma_wait3A_382, %dma_wait3A_383, %dma_wait3A_384] : memref<2x4x4x1024xf32, #tpu.memory_space<vmem>> -> memref<1x4x4x1024xf32, #tpu.memory_space<vmem>>
          %dma_wait3A_386 = tpu.memref_squeeze %dma_wait3A_385 : memref<1x4x4x1024xf32, #tpu.memory_space<vmem>> -> memref<4x4x1024xf32, #tpu.memory_space<vmem>>
          %dma_wait3A_387 = arith.constant 0 : i32
          %dma_wait3A_388 = arith.constant 0 : i32
          %dma_wait3A_389 = tpu.memref_slice %arg4[%dma_wait3A_387, %mul3A_381, %dma_wait3A_388] : memref<4x4096x1024xf32, #tpu.memory_space<hbm>> -> memref<4x4x1024xf32, #tpu.memory_space<hbm>>
          %dma_wait3A_390 = tpu.memref_slice %run_scoped3A_11[%rem3A_379] : memref<2x!tpu.dma_semaphore, #tpu.memory_space<semaphore_mem>> -> memref<1x!tpu.dma_semaphore, #tpu.memory_space<semaphore_mem>>
          %dma_wait3A_391 = tpu.memref_squeeze %dma_wait3A_390 : memref<1x!tpu.dma_semaphore, #tpu.memory_space<semaphore_mem>> -> memref<!tpu.dma_semaphore, #tpu.memory_space<semaphore_mem>>
          %dma_wait3A_392 = arith.constant 0 : i32
          %dma_wait3A_393 = arith.constant 0 : i32
          %dma_wait3A_394 = tpu.memref_slice %arg4[%dma_wait3A_392, %mul3A_381, %dma_wait3A_393] : memref<4x4096x1024xf32, #tpu.memory_space<hbm>> -> memref<4x4x1024xf32, #tpu.memory_space<hbm>>
          %dma_wait3A_395 = arith.constant 0 : i32
          %dma_wait3A_396 = arith.constant 0 : i32
          %dma_wait3A_397 = arith.constant 0 : i32
          %dma_wait3A_398 = tpu.memref_slice %run_scoped3A_10[%rem3A_379, %dma_wait3A_395, %dma_wait3A_396, %dma_wait3A_397] : memref<2x4x4x1024xf32, #tpu.memory_space<vmem>> -> memref<1x4x4x1024xf32, #tpu.memory_space<vmem>>
          %dma_wait3A_399 = tpu.memref_squeeze %dma_wait3A_398 : memref<1x4x4x1024xf32, #tpu.memory_space<vmem>> -> memref<4x4x1024xf32, #tpu.memory_space<vmem>>
          tpu.wait_dma2 semaphore(%dma_wait3A_391 : memref<!tpu.dma_semaphore, #tpu.memory_space<semaphore_mem>>) src(%dma_wait3A_399 : memref<4x4x1024xf32, #tpu.memory_space<vmem>>) dst(%dma_wait3A_394 : memref<4x4x1024xf32, #tpu.memory_space<hbm>>)
          "tpu.trace_stop"() : () -> ()
        } else {
        }
        %and3A_347 = arith.constant true
        %and3A_348 = arith.andi %and3A_343, %and3A_347 : i1
        %add3A_349 = arith.constant 1 : i32
        %add3A_350 = arith.addi %scan3A_163, %add3A_349 : i32
        %select_n3A_351 = arith.select %and3A_348, %add3A_350, %scan3A_163 : i32
        %ne3A_352 = arith.cmpi ne, %add3A_169, %add3A_187 : i32
        %or3A_353 = arith.constant false
        %or3A_354 = arith.ori %or3A_353, %ne3A_352 : i1
        %or3A_355 = arith.constant false
        %or3A_356 = arith.ori %or3A_354, %or3A_355 : i1
        %or3A_357 = arith.ori %or3A_356, %eq3A_168 : i1
        %add3A_358 = arith.constant 1 : i32
        %add3A_359 = arith.addi %scan3A_159, %add3A_358 : i32
        %select_n3A_360 = arith.select %or3A_357, %add3A_359, %scan3A_159 : i32
        %ne3A_361 = arith.cmpi ne, %add3A_169, %add3A_187 : i32
        %or3A_362 = arith.constant false
        %or3A_363 = arith.ori %or3A_362, %ne3A_361 : i1
        %or3A_364 = arith.constant false
        %or3A_365 = arith.ori %or3A_363, %or3A_364 : i1
        %or3A_366 = arith.ori %or3A_365, %eq3A_168 : i1
        %add3A_367 = arith.constant 1 : i32
        %add3A_368 = arith.addi %scan3A_161, %add3A_367 : i32
        %select_n3A_369 = arith.select %or3A_366, %add3A_368, %scan3A_161 : i32
        %add3A_370 = arith.constant 1 : i32
        %add3A_371 = arith.addi %scan3A_164, %add3A_370 : i32
        %select_n3A_372 = arith.constant true
        %select_n3A_373 = arith.select %select_n3A_372, %add3A_371, %scan3A_164 : i32
        %eq3A_374 = arith.constant 32 : i32
        %eq3A_375 = arith.cmpi eq, %select_n3A_373, %eq3A_374 : i32
        %select_n3A_376 = arith.constant 0 : i32
        %select_n3A_377 = arith.select %eq3A_375, %select_n3A_376, %select_n3A_373 : i32
        scf.yield %select_n3A_207, %select_n3A_360, %select_n3A_225, %select_n3A_369, %select_n3A_309, %select_n3A_351, %select_n3A_377 : i32, i32, i32, i32, i32, i32, i32
      }
      %scan3A_100 = arith.constant 32 : i32
      %sub3A = arith.constant 1 : i32
      %sub3A_101 = arith.subi %scan3A_99#6, %sub3A : i32
      %select_n3A_102 = arith.constant true
      %select_n3A_103 = arith.select %select_n3A_102, %sub3A_101, %scan3A_99#6 : i32
      %eq3A_104 = arith.constant -1 : i32
      %eq3A_105 = arith.cmpi eq, %select_n3A_103, %eq3A_104 : i32
      %select_n3A_106 = arith.constant 31 : i32
      %select_n3A_107 = arith.select %eq3A_105, %select_n3A_106, %select_n3A_103 : i32
      %add3A_108 = arith.addi %select_n3A_107, %mul3A_6 : i32
      %sub3A_109 = arith.constant 1 : i32
      %sub3A_110 = arith.subi %select_n3A_107, %sub3A_109 : i32
      %select_n3A_111 = arith.constant true
      %select_n3A_112 = arith.select %select_n3A_111, %sub3A_110, %select_n3A_107 : i32
      %eq3A_113 = arith.constant -1 : i32
      %eq3A_114 = arith.cmpi eq, %select_n3A_112, %eq3A_113 : i32
      %select_n3A_115 = arith.constant 31 : i32
      %select_n3A_116 = arith.select %eq3A_114, %select_n3A_115, %select_n3A_112 : i32
      %add3A_117 = arith.addi %select_n3A_116, %mul3A_6 : i32
      %add3A_118 = arith.constant 1 : i32
      %add3A_119 = arith.addi %select_n3A_107, %add3A_118 : i32
      %select_n3A_120 = arith.constant true
      %select_n3A_121 = arith.select %select_n3A_120, %add3A_119, %select_n3A_107 : i32
      %eq3A_122 = arith.constant 32 : i32
      %eq3A_123 = arith.cmpi eq, %select_n3A_121, %eq3A_122 : i32
      %select_n3A_124 = arith.constant 0 : i32
      %select_n3A_125 = arith.select %eq3A_123, %select_n3A_124, %select_n3A_121 : i32
      %add3A_126 = arith.addi %select_n3A_125, %mul3A_6 : i32
      %add3A_127 = arith.constant 1 : i32
      %add3A_128 = arith.addi %select_n3A_125, %add3A_127 : i32
      %select_n3A_129 = arith.constant true
      %select_n3A_130 = arith.select %select_n3A_129, %add3A_128, %select_n3A_125 : i32
      %eq3A_131 = arith.constant 32 : i32
      %eq3A_132 = arith.cmpi eq, %select_n3A_130, %eq3A_131 : i32
      %select_n3A_133 = arith.constant 0 : i32
      %select_n3A_134 = arith.select %eq3A_132, %select_n3A_133, %select_n3A_130 : i32
      %add3A_135 = arith.addi %select_n3A_134, %mul3A_6 : i32
      "tpu.trace_start"() <{level = 10 : i32, message = "ep_finalize"}> : () -> ()
      %rem3A_136 = arith.constant 2 : i32
      %rem3A_137 = arith.remui %scan3A_99#5, %rem3A_136 : i32
      %mul3A_138 = arith.constant 4 : i32
      %mul3A_139 = arith.muli %mul3A_138, %add3A_108 : i32
      %dma_wait3A = arith.constant 0 : i32
      %dma_wait3A_140 = arith.constant 0 : i32
      %dma_wait3A_141 = arith.constant 0 : i32
      %dma_wait3A_142 = tpu.memref_slice %run_scoped3A_10[%rem3A_137, %dma_wait3A, %dma_wait3A_140, %dma_wait3A_141] : memref<2x4x4x1024xf32, #tpu.memory_space<vmem>> -> memref<1x4x4x1024xf32, #tpu.memory_space<vmem>>
      %dma_wait3A_143 = tpu.memref_squeeze %dma_wait3A_142 : memref<1x4x4x1024xf32, #tpu.memory_space<vmem>> -> memref<4x4x1024xf32, #tpu.memory_space<vmem>>
      %dma_wait3A_144 = arith.constant 0 : i32
      %dma_wait3A_145 = arith.constant 0 : i32
      %dma_wait3A_146 = tpu.memref_slice %arg4[%dma_wait3A_144, %mul3A_139, %dma_wait3A_145] : memref<4x4096x1024xf32, #tpu.memory_space<hbm>> -> memref<4x4x1024xf32, #tpu.memory_space<hbm>>
      %dma_wait3A_147 = tpu.memref_slice %run_scoped3A_11[%rem3A_137] : memref<2x!tpu.dma_semaphore, #tpu.memory_space<semaphore_mem>> -> memref<1x!tpu.dma_semaphore, #tpu.memory_space<semaphore_mem>>
      %dma_wait3A_148 = tpu.memref_squeeze %dma_wait3A_147 : memref<1x!tpu.dma_semaphore, #tpu.memory_space<semaphore_mem>> -> memref<!tpu.dma_semaphore, #tpu.memory_space<semaphore_mem>>
      %dma_wait3A_149 = arith.constant 0 : i32
      %dma_wait3A_150 = arith.constant 0 : i32
      %dma_wait3A_151 = tpu.memref_slice %arg4[%dma_wait3A_149, %mul3A_139, %dma_wait3A_150] : memref<4x4096x1024xf32, #tpu.memory_space<hbm>> -> memref<4x4x1024xf32, #tpu.memory_space<hbm>>
      %dma_wait3A_152 = arith.constant 0 : i32
      %dma_wait3A_153 = arith.constant 0 : i32
      %dma_wait3A_154 = arith.constant 0 : i32
      %dma_wait3A_155 = tpu.memref_slice %run_scoped3A_10[%rem3A_137, %dma_wait3A_152, %dma_wait3A_153, %dma_wait3A_154] : memref<2x4x4x1024xf32, #tpu.memory_space<vmem>> -> memref<1x4x4x1024xf32, #tpu.memory_space<vmem>>
      %dma_wait3A_156 = tpu.memref_squeeze %dma_wait3A_155 : memref<1x4x4x1024xf32, #tpu.memory_space<vmem>> -> memref<4x4x1024xf32, #tpu.memory_space<vmem>>
      tpu.wait_dma2 semaphore(%dma_wait3A_148 : memref<!tpu.dma_semaphore, #tpu.memory_space<semaphore_mem>>) src(%dma_wait3A_156 : memref<4x4x1024xf32, #tpu.memory_space<vmem>>) dst(%dma_wait3A_151 : memref<4x4x1024xf32, #tpu.memory_space<hbm>>)
      "tpu.trace_stop"() : () -> ()
      tpu.yield
    }) : () -> ()
    return
  }
}

</mosaic_0001>

<sc_bundles>
// kernel: kernel.3.cloned.1.call-start
scs
__scs_entry_jumppad:
0x0: {  	(pc) =	sbr.rel $0x88, $3  }
0x1: {  	(tag) =	ssettag $0x0;
	lr =	simm.s32 $0x1  }
0x2: {  	[smem:$0x3F9F] =	sst lr;
	_ =	strace $0xD0000000  }
0x3: {  	_ = 	snop  }
0x4: {  	_ = 	snop  }
0x5: {  	_ = 	snop  }
0x6: {  	_ = 	snop  }
0x7: {  	_ = 	snop  }
__scs_overlays_trampoline_lowered:
0x8: {  	[smem:$0x3FAE] =	sst s0  }
0x9: {  	[smem:$0x3FAF] =	sst s1  }
0xa: {  	[smem:$0x3FB0] =	sst s2  }
0xb: {  	[smem:$0x3FB1] =	sst s3  }
0xc: {  	[smem:$0x3FB2] =	sst s4  }
0xd: {  	[smem:$0x3FB3] =	sst s5  }
0xe: {  	[smem:$0x3FB4] =	sst s6  }
0xf: {  	[smem:$0x3FB5] =	sst s7  }
0x10: {  	[smem:$0x3FB6] =	sst s8  }
0x11: {  	[smem:$0x3FB7] =	sst s9;
	s0 =	simm.s32 @!p0 $0x0  }
0x12: {  	s1 =	sld [smem:$0x3F9D];
	s0 =	simm.s32 @p0 $0x1  }
0x13: {  	[smem:$0x3FB8] =	sst s0;
	s0 =	simm.s32 @!p1 $0x0  }
0x14: {  	s2 =	sld [smem:$0x3F9C];
	s0 =	simm.s32 @p1 $0x1  }
0x15: {  	[smem:$0x3FB9] =	sst s0;
	s0 =	simm.s32 @!p2 $0x0  }
0x16: {  	s3 =	sld [smem:$0x3FDB];
	s0 =	simm.s32 @p2 $0x1  }
0x17: {  	s4 =	simm.s32 $0x1BF5;
	[smem:$0x3FBB] =	sst s0  }
0x18: {  	s0 =	sld [smem:$0x3F9E];
	_ =	swait.ge [sflag:s4], $0x0  }
0x19: {  	s7 =	sld [smem:$0x3F9F]  }
0x1a: {  	s8 =	sadd.s32 $0xFFFFE003, lr  }
0x1b: {  	s9 =	sadd.s32 $0xFFFFFEF7, lr;
	s5 =	simm.s32 $0xFFFFFFFF;
	p2 =	slt.u32 s8, $0xFFFFF086  }
0x1c: {  	p1 =	slt.u32 s9, $0xF7A;
	s5 =	simm.s32 @!p2 $0x0  }
0x1d: {  	s5 =	simm.s32 @p1 $0x1;
	p0 =	seq.s32 s7, s2  }
0x1e: {  	s7 =	smul.u32 @!p0 $0xF7A, s2;
	p2 =	seq.s32 @!p0 s5, $0x0  }
0x1f: {  	s9 =	smul.u32 $0xF7A, s1;
	s8 =	simm.s32 @!p0 $0x1BF5;
	p2 =	por !p2, p0  }
0x20: {  	[sflag:s8] =	ssyncset.s32 @!p0 $0xFFFFF086;
	s6 =	sadd.s32 @!p0 s3, s7;
	s7 =	simm.s32 @!p0 $0x108  }
0x21: {  	s3 =	sadd.s32 s3, s9;
	s6 =	sadd.s32 @!p0 $0x88, s6;
	s7 =	simm.s32 @p2 $0x1082  }
0x22: {  	[simem:s7], [sflag:s8] =	dma.local @!p0 [hbm:s6], $0xF7A  }
0x23: {  	s9 =	sor.u32 $0xD0000000, s2;
	s6 =	simm.s32 $0x108;
	_ =	swait.ge @!p0 [sflag:s8], $0x0  }
0x24: {  	s3 =	sadd.s32 $0x88, s3;
	s6 =	simm.s32 @!p1 $0x1082;
	[sflag:s4] =	ssyncset.s32 $0xFFFFF086  }
0x25: {  	[simem:s6], [sflag:s4] =	dma.local [hbm:s3], $0xF7A  }
0x26: {  	[smem:$0x3F9F] =	sst s1;
	(tag) =	ssettag s2;
	_ =	strace s9  }
0x27: {  	s1 =	sld [smem:$0x3FAF]  }
0x28: {  	s2 =	sld [smem:$0x3FB0]  }
0x29: {  	s4 =	sld [smem:$0x3FB2]  }
0x2a: {  	p0 =	seq.s32 s5, $0x0;
	s5 =	sld [smem:$0x3FB3]  }
0x2b: {  	s6 =	sld [smem:$0x3FB4]  }
0x2c: {  	s7 =	sld [smem:$0x3FB5]  }
0x2d: {  	s3 =	simm.s32 $0x108;
	s8 =	sld [smem:$0x3FB6]  }
0x2e: {  	s3 =	simm.s32 @!p0 $0x1082;
	s9 =	sld [smem:$0x3FB7]  }
0x2f: {  	lr =	sadd.s32 s0, s3;
	s0 =	sld [smem:$0x3FAE]  }
0x30: {  	s3 =	sld [smem:$0x3FB1]  }
0x31: {  	[smem:$0x3FBA] =	sst s10  }
0x32: {  	s10 =	sld [smem:$0x3FB8];
	_ =	sdelay $0x3  }
0x33: {  	p0 =	seq.s32 s10, $0x1;
	s10 =	sld [smem:$0x3FBA];
	_ =	sdelay $0x3  }
0x34: {  	[smem:$0x3FBA] =	sst s10  }
0x35: {  	s10 =	sld [smem:$0x3FB9];
	_ =	sdelay $0x3  }
0x36: {  	p1 =	seq.s32 s10, $0x1;
	s10 =	sld [smem:$0x3FBA];
	_ =	sdelay $0x3  }
0x37: {  	[smem:$0x3FBA] =	sst s10  }
0x38: {  	s10 =	sld [smem:$0x3FBB]  }
0x39: {  	_ = 	snop;
	(pc) =	sbr.ind lr, $3  }
0x3a: {  	_ = 	snop  }
0x3b: {  	_ = 	snop  }
0x3c: {  	p2 =	seq.s32 s10, $0x1;
	s10 =	sld [smem:$0x3FBA]  }
0x3d: {  	_ =	shalt  }
0x3e: {  	_ =	shalt  }
0x3f: {  	_ =	shalt  }
0x40: {  	_ =	shalt  }
0x41: {  	_ =	shalt  }
0x42: {  	_ =	shalt  }
0x43: {  	_ =	shalt  }
0x44: {  	_ =	shalt  }
0x45: {  	_ =	shalt  }
0x46: {  	_ =	shalt  }
0x47: {  	_ =	shalt  }
0x48: {  	_ =	shalt  }
0x49: {  	_ =	shalt  }
0x4a: {  	_ =	shalt  }
0x4b: {  	_ =	shalt  }
0x4c: {  	_ =	shalt  }
0x4d: {  	_ =	shalt  }
0x4e: {  	_ =	shalt  }
0x4f: {  	_ =	shalt  }
0x50: {  	_ =	shalt  }
0x51: {  	_ =	shalt  }
0x52: {  	_ =	shalt  }
0x53: {  	_ =	shalt  }
0x54: {  	_ =	shalt  }
0x55: {  	_ =	shalt  }
0x56: {  	_ =	shalt  }
0x57: {  	_ =	shalt  }
0x58: {  	_ =	shalt  }
0x59: {  	_ =	shalt  }
0x5a: {  	_ =	shalt  }
0x5b: {  	_ =	shalt  }
0x5c: {  	_ =	shalt  }
0x5d: {  	_ =	shalt  }
0x5e: {  	_ =	shalt  }
0x5f: {  	_ =	shalt  }
0x60: {  	_ =	shalt  }
0x61: {  	_ =	shalt  }
0x62: {  	_ =	shalt  }
0x63: {  	_ =	shalt  }
0x64: {  	_ =	shalt  }
0x65: {  	_ =	shalt  }
0x66: {  	_ =	shalt  }
0x67: {  	_ =	shalt  }
0x68: {  	_ =	shalt  }
0x69: {  	_ =	shalt  }
0x6a: {  	_ =	shalt  }
0x6b: {  	_ =	shalt  }
0x6c: {  	_ =	shalt  }
0x6d: {  	_ =	shalt  }
0x6e: {  	_ =	shalt  }
0x6f: {  	_ =	shalt  }
0x70: {  	_ =	shalt  }
0x71: {  	_ =	shalt  }
0x72: {  	_ =	shalt  }
0x73: {  	_ =	shalt  }
0x74: {  	_ =	shalt  }
0x75: {  	_ =	shalt  }
0x76: {  	_ =	shalt  }
0x77: {  	_ =	shalt  }
0x78: {  	_ =	shalt  }
0x79: {  	_ =	shalt  }
0x7a: {  	_ =	shalt  }
0x7b: {  	_ =	shalt  }
0x7c: {  	_ =	shalt  }
0x7d: {  	_ =	shalt  }
0x7e: {  	_ =	shalt  }
0x7f: {  	_ =	shalt  }
0x80: {  	_ =	shalt  }
0x81: {  	_ =	shalt  }
0x82: {  	_ =	shalt  }
0x83: {  	_ =	shalt  }
0x84: {  	_ =	shalt  }
0x85: {  	_ =	shalt  }
0x86: {  	_ =	shalt  }
0x87: {  	_ =	shalt  }
.Lfunc_end0:
.L_simem_size_0:
called_computation_lowered:
.L_overlay_start_0:
0x88: {  	s2 =	sld [smem:$0x3FD9]  }
0x89: {  	s3 =	sld [smem:$0x3FFE];
	_ =	sdelay $0x1  }
0x8a: {  	s1 =	srdreg.scid  }
0x8b: {  	s0 =	sand.u32 $0x1, s1  }
0x8c: {  	s18 =	sshll.u32 s0, $0xA;
	s2 =	sadd.s32 s3, s2  }
0x8d: {  	s2 =	sadd.s32 s2, s18  }
0x8e: {  	[smem:$0x3FC6] =	sst s2  }
0x8f: {  	_ = 	snop  }
0x90: {  	s2 =	sld [smem:$0x3FC9]  }
0x91: {  	s19 =	sld [smem:$0x3FC8]  }
0x92: {  	s4 =	sld [smem:$0x3FD0];
	(tm) =	ssettm $0x1  }
0x93: {  	s5 =	sld [smem:$0x3FFB];
	_ =	sdelay $0x3  }
0x94: {  	_ =	strace s5  }
0x95: {  	s5 =	sld [smem:$0x3FFC];
	_ =	sdelay $0x3  }
0x96: {  	_ =	strace s5  }
0x97: {  	s5 =	sld [smem:$0x3FFD];
	_ =	sdelay $0x3  }
0x98: {  	_ =	strace s5  }
0x99: {  	_ =	strace $0x8FFFFFFF  }
0x9a: {  	s20 =	sld [smem:$0x3FDB];
	_ =	sdelay $0x1  }
0x9b: {  	s6 =	simm.s32 $_scs_section_size  }
0x9c: {  	s7 =	simm.s32 $_size__tile_overlayer_lowered;
	s8 =	simm.s32 $_tile_overlayer_lowered  }
0x9d: {  	s23 =	simm.s32 $0x1BFF;
	s22 =	sshll.u32 s8, $0x1;
	s5 =	sadd.s32 s6, s20  }
0x9e: {  	s9 =	simm.s32 $0x0;
	s21 =	sshll.u32 s7, $0x1;
	s7 =	sadd.s32 s22, s5  }
0x9f: {  	[timem:s9], [sflag:s23] =	dma.local [hbm:s7], s21  }
0xa0: {  	_ =	swait.ge [sflag:s23], s21  }
0xa1: {  	s6 =	ssub.s32 $0x0, s21;
	[sflag:s23] =	ssyncset.done $0x0  }
0xa2: {  	[sflag:s23] =	ssyncadd.s32 s6;
	_ =	sdelay $0x1  }
0xa3: {  	s24 =	simm.s32 $0x1B8B  }
0xa4: {  	_ =	swait.ge [sflag:s24], $0x1  }
0xa5: {  	[sflag:s24] =	ssyncset.done $0x0  }
0xa6: {  	s25 =	simm.s32 $0x1B8E;
	[sflag:s24] =	ssyncadd.s32 $0xFFFFFFFF  }
0xa7: {  	s26 =	simm.s32 $execute0_lowered;
	[smem:$0x3FD2] =	sst s25  }
0xa8: {  	s6 =	sshll.u32 s26, $0x1;
	_ =	strace $0x80000046;
	[dreg:$0x1] =	wrdreg $0xFFFFFFFF  }
0xa9: {  	s28 =	simm.s32 $_size_execute0_lowered;
	s5 =	sadd.s32 s5, s6;
	[dreg:$0x0] =	wrdreg $0x0  }
0xaa: {  	s6 =	sshll.u32 s28, $0x1;
	[dreg:$0x2] =	wrdreg s5  }
0xab: {  	[dreg:$0x3] =	wrdreg s6  }
0xac: {  	[dreg:$0x4] =	wrdreg $0xC0  }
0xad: {  	_ =	task [dreg:s9], $0x5FFFF  }
0xae: {  	[dreg:$0x1] =	wrdreg $0xFFFFFFFF  }
0xaf: {  	[dreg:$0x0] =	wrdreg $0x60  }
0xb0: {  	[dreg:$0x2] =	wrdreg s19  }
0xb1: {  	[dreg:$0x3] =	wrdreg s2  }
0xb2: {  	[dreg:$0x4] =	wrdreg s4  }
0xb3: {  	[dreg:$0x5] =	wrdreg $0x9  }
0xb4: {  	_ =	task.clear_ibuf [dreg:s9], $0x6FFFF;
	_ =	strace $0x90000046  }
0xb5: {  	s29 =	simm.s32 $0x9;
	_ =	strace $0x80000051  }
0xb6: {  	_ =	swait.ge [sflag:s29], $0x1  }
0xb7: {  	[sflag:s29] =	ssyncadd.s32 $0xFFFFFFFF  }
0xb8: {  	_ =	strace $0x90000051  }
0xb9: {  	_ =	sfence  }
0xba: {  	s30 =	sld [smem:$0x0];
	_ =	sdelay $0x2  }
0xbb: {  	s31 =	sshll.u32 s1, $0xD;
	s1 =	sshrl.u32 s1, $0x2  }
0xbc: {  	s3 =	sand.u32 $0x4000, s31;
	s1 =	sadd.s32 s1, s30  }
0xbd: {  	s0 =	sor.u32 s3, s0;
	s1 =	sshll.u32 s1, $0x11  }
0xbe: {  	s0 =	sor.u32 s1, s0  }
0xbf: {  	s0 =	sadd.s32 $0x8F2B, s0  }
0xc0: {  	[sflag:s0] =	ssyncadd.remote.s32 $0x1  }
0xc1: {  	_ =	sfence.sel $0xFFFF  }
0xc2: {  	[dreg:$0x0] =	wrdreg $0xFFFFFFFF;
	(pc) =	sbr.abs _section_cstart, $3  }
0xc3: {  	[dreg:$0x1] =	wrdreg $0xFFFFFFFF  }
0xc4: {  	_ =	task.clear_ibuf [dreg:s9], $0x2FFFF;
	_ =	strace $0x9FFFFFFF  }
0xc5: {  	(tm) =	ssettm $0x7FFFFFFF  }
tec
execute0_lowered:
.L_overlay_start_1:
0x0: {  	(tag) =	ssettag $0x1  }
0x1: {  	s1 =	rddreg [dreg:$0x0]  }
0x2: {  	s2 =	rddreg [dreg:$0x1]  }
0x3: {  	s3 =	rddreg [dreg:$0x2];
	s0 =	srdreg.scid;
	s5 =	simm.s32 $0x0  }
0x4: {  	s6 =	stileid.u32;
	s10 =	simm.s32 $0x200;
	s0 =	sand.u32 $0x1, s0  }
0x5: {  	s11 =	simm.s32 $0x400;
	s4 =	ssub.s32 $0x2, s0;
	s0 =	sshll.u32 s0, $0x4  }
0x6: {  	s19 =	simm.s32 $0x6;
	s20 =	simm.s32 $0x0;
	s0 =	sor.u32 s6, s0  }
0x7: {  	[smem:$0x7FF] =	sst s5;
	s26 =	sshrl.u32 s4, $0x1;
	s28 =	sshll.u32 s0, $0xE  }
0x8: {  	_ =	strace $0x80000047;
	s4 =	ssub.s32 s4, s26;
	s29 =	sadd.s32 s1, s28  }
0x9: {  	s8 =	sadd.s32 s2, s28;
	s30 =	smax.u32 s4, $0x1;
	[dreg:$0x4] =	wrdreg s29  }
0xa: {  	s6 =	sshll.u32 s0, $0x5;
	[dreg:$0x5] =	wrdreg s30;
	s31 =	sadd.s32 $0x80000, s8  }
0xb: {  	s15 =	sadd.s32 $0x100000, s8;
	s17 =	sadd.s32 $0x180000, s8;
	[dreg:$0x6] =	wrdreg s31  }
.LBB2_1:
0xc: {  	_ =	strace $0x80000048  }
0xd: {  	s0 =	simm.s32 $0x0;
	s4 =	rddreg [dreg:$0x4]  }
0xe: {  	[tilespmem:s0], [sflag:$0x1] =	stream.strided.gather [hbm4b:s4+s10], $0x1000, s11, s10, $0x200038;
	[tilespmem:$0x12000] =	vst v63  }
0xf: {  	s24 =	simm.s32 $0x2000;
	s26 =	simm.s32 $0x3000  }
0x10: {  	[tilespmem:s24], [sflag:$0x3] =	stream.strided.gather [hbm4b:s8+s10], $0x1000, s11, s10, $0x200038;
	[tilespmem:$0x12000] =	vst v63  }
0x11: {  	s29 =	simm.s32 $0x4000;
	s31 =	simm.s32 $0x5000;
	s25 =	rddreg [dreg:$0x6]  }
0x12: {  	[tilespmem:s26], [sflag:$0x3] =	stream.strided.gather [hbm4b:s25+s10], $0x1000, s11, s10, $0x200038;
	[tilespmem:$0x12000] =	vst v63  }
0x13: {  	s30 =	simm.s32 $0x0;
	s21 =	simm.s32 $0x0;
	s22 =	simm.s32 $0x0  }
0x14: {  	[tilespmem:s29], [sflag:$0x3] =	stream.strided.gather [hbm4b:s15+s10], $0x1000, s11, s10, $0x200038;
	[tilespmem:$0x12000] =	vst v63  }
0x15: {  	s23 =	simm.s32 $0x0;
	s28 =	simm.s32 $0x0;
	s24 =	simm.s32 $0x1  }
0x16: {  	[tilespmem:s31], [sflag:$0x3] =	stream.strided.gather [hbm4b:s17+s10], $0x1000, s11, s10, $0x200038;
	[tilespmem:$0x12000] =	vst v63  }
0x17: {  	s25 =	simm.s32 $0x0;
	s26 =	simm.s32 $0x1;
	_ =	strace $0x90000048  }
.LBB2_2:
0x18: {  	s29 =	sadd.s32 $0x1, s30  }
0x19: {  	p0 =	seq.s32 s29, $0x20  }
0x1a: {  	s29 =	simm.s32 @p0 $0x0;
	p0 =	seq.s32 s28, $0x1F  }
0x1b: {  	p1 =	seq.s32 @!p0 s30, s29  }
0x1c: {  	p2 =	por p1, p0  }
0x1d: {  	s0 =	sadd.s32 @!p2 s6, s29  }
0x1e: {  	s4 =	sshll.u32 @!p2 s29, $0x9;
	s0 =	sshll.u32 @!p2 s0, $0xC  }
0x1f: {  	s4 =	sand.u32 @!p2 $0x200, s4;
	s0 =	sand.u32 @!p2 $0xFFFFE000, s0  }
0x20: {  	_ =	strace @!p2 $0x80000049;
	s12 =	simm.s32 @!p2 $0x200;
	s0 =	sor.u32 @!p2 s4, s0  }
0x21: {  	s13 =	simm.s32 @!p2 $0x400;
	s4 =	sand.u32 @!p2 $0x1, s26;
	s0 =	sshrl.u32 @!p2 s0, $0x3  }
0x22: {  	s7 =	sshll.u32 @!p2 s4, $0xC;
	s4 =	sadd.s32 @!p2 $0x1, s4;
	s9 =	sadd.s32 @!p2 s1, s0  }
0x23: {  	[tilespmem:s7], [sflag:s4] =	stream.strided.gather @!p2 [hbm4b:s9+s12], $0x1000, s13, s12, $0x200038;
	[tilespmem:$0x12000] =	vst v63  }
0x24: {  	s4 =	sand.u32 @!p2 $0x1, s24  }
0x25: {  	s0 =	sadd.s32 @!p2 s2, s0;
	_ =	strace @!p2 $0x90000049;
	s7 =	sshll.u32 @!p2 s4, $0xE  }
0x26: {  	s4 =	sadd.s32 @!p2 $0x3, s4;
	_ =	strace @!p2 $0x8000004A;
	s9 =	sor.u32 @!p2 $0x2000, s7  }
0x27: {  	[tilespmem:s9], [sflag:s4] =	stream.strided.gather @!p2 [hbm4b:s0+s12], $0x1000, s13, s12, $0x200038;
	[tilespmem:$0x12000] =	vst v63  }
0x28: {  	s14 =	sor.u32 @!p2 $0x3000, s7;
	s9 =	sadd.s32 @!p2 $0x80000, s0  }
0x29: {  	[tilespmem:s14], [sflag:s4] =	stream.strided.gather @!p2 [hbm4b:s9+s12], $0x1000, s13, s12, $0x200038;
	[tilespmem:$0x12000] =	vst v63  }
0x2a: {  	s9 =	sadd.s32 @!p2 $0x100000, s0;
	s14 =	sadd.s32 @!p2 $0x4000, s7  }
0x2b: {  	[tilespmem:s14], [sflag:s4] =	stream.strided.gather @!p2 [hbm4b:s9+s12], $0x1000, s13, s12, $0x200038;
	[tilespmem:$0x12000] =	vst v63  }
0x2c: {  	s0 =	sadd.s32 @!p2 $0x180000, s0;
	s7 =	sadd.s32 @!p2 $0x5000, s7  }
0x2d: {  	[tilespmem:s7], [sflag:s4] =	stream.strided.gather @!p2 [hbm4b:s0+s12], $0x1000, s13, s12, $0x200038;
	[tilespmem:$0x12000] =	vst v63  }
0x2e: {  	s13 =	sand.u32 $0x1, s25;
	_ =	strace @!p2 $0x9000004A  }
0x2f: {  	s5 =	smov.u32 s26;
	s0 =	sadd.s32 $0x1, s13;
	_ =	strace $0x8000004B  }
0x30: {  	s31 =	simm.s32 $0x0;
	p1 =	por !p1, p0;
	_ =	swait.ge [sflag:s0], $0x1000  }
0x31: {  	s16 =	sshll.u32 s23, $0xE;
	s31 =	simm.s32 @p1 $0x1;
	[sflag:s0] =	ssyncset.done $0x0  }
0x32: {  	s18 =	sshll.u32 s25, $0xC;
	s31 =	simm.s32 @p0 $0x0;
	[sflag:s0] =	ssyncadd.s32 $0xFFFFF000  }
0x33: {  	s14 =	sand.u32 $0x1, s23;
	s7 =	sadd.s32 @!p2 $0x1, s26;
	_ =	strace $0x9000004B  }
0x34: {  	s4 =	sadd.s32 $0x3, s14;
	s14 =	sand.u32 $0x1000, s18;
	_ =	strace $0x8000004C  }
0x35: {  	s26 =	smov.u32 @p1 s7;
	s7 =	simm.s32 $0x0;
	_ =	swait.ge [sflag:s4], $0x4000  }
0x36: {  	s26 =	smov.u32 @p0 s5;
	s5 =	sand.u32 $0x1, s22;
	[sflag:s4] =	ssyncset.done $0x0  }
0x37: {  	s0 =	sadd.s32 s6, s30;
	[sflag:s4] =	ssyncadd.s32 $0xFFFFC000;
	s4 =	sand.u32 $0x4000, s16  }
0x38: {  	_ =	strace $0x9000004C;
	s16 =	sor.u32 $0x2000, s4;
	s4 =	sshll.u32 s5, $0xE  }
0x39: {  	_ =	strace $0x8000004D;
	s12 =	sor.u32 $0xA000, s4;
	s18 =	sadd.s32 $0xC000, s4  }
.LBB2_3:
0x3a: {  	v0 =	vmov s14  }
0x3b: {  	v1 =	vmov s16;
	_ =	sdelay $0x1  }
0x3c: {  	v2 =	vmov s18;
	s9 =	simm.s32 $0x0  }
.LBB2_4:
0x3d: {  	s13 =	sshra.s32 s9, $0x2  }
0x3e: {  	v3 =	vld.idx.msk [tilespmem:v0+s13+$0x0 ss:$0x1], $0xffff  }
0x3f: {  	v4 =	vld.idx.msk [tilespmem:v1+s13+$0x0 ss:$0x1], $0xffff;
	_ =	sdelay $0x4  }
0x40: {  	v4 =	vadd.f32 v4, v3;
	_ =	sdelay $0x1  }
0x41: {  	[tilespmem:v2+s13+$0xFFFFE000 ss:$0x1] =	vst.idx.msk $0xffff, v4  }
0x42: {  	v4 =	vld.idx.msk [tilespmem:v1+s13+$0x1000 ss:$0x1], $0xffff;
	_ =	sdelay $0x4  }
0x43: {  	v4 =	vadd.f32 v4, v3;
	_ =	sdelay $0x1  }
0x44: {  	[tilespmem:v2+s13+$0xFFFFF000 ss:$0x1] =	vst.idx.msk $0xffff, v4  }
0x45: {  	v4 =	vld.idx.msk [tilespmem:v1+s13+$0x2000 ss:$0x1], $0xffff;
	_ =	sdelay $0x4  }
0x46: {  	v4 =	vadd.f32 v4, v3;
	_ =	sdelay $0x1  }
0x47: {  	[tilespmem:v2+s13+$0x0 ss:$0x1] =	vst.idx.msk $0xffff, v4  }
0x48: {  	v4 =	vld.idx.msk [tilespmem:v1+s13+$0x3000 ss:$0x1], $0xffff;
	_ =	sdelay $0x4  }
0x49: {  	v3 =	vadd.f32 v4, v3;
	_ =	sdelay $0x1  }
0x4a: {  	[tilespmem:v2+s13+$0x1000 ss:$0x1] =	vst.idx.msk $0xffff, v3  }
0x4b: {  	v3 =	vld.idx.msk [tilespmem:v0+s13+$0x10 ss:$0x1], $0xffff  }
0x4c: {  	v57 =	vld.idx.msk [tilespmem:v1+s13+$0x10 ss:$0x1], $0xffff;
	_ =	sdelay $0x4  }
0x4d: {  	v4 =	vadd.f32 v57, v3;
	_ =	sdelay $0x1  }
0x4e: {  	[tilespmem:v2+s13+$0xFFFFE010 ss:$0x1] =	vst.idx.msk $0xffff, v4  }
0x4f: {  	v4 =	vld.idx.msk [tilespmem:v1+s13+$0x1010 ss:$0x1], $0xffff;
	_ =	sdelay $0x4  }
0x50: {  	v4 =	vadd.f32 v4, v3;
	_ =	sdelay $0x1  }
0x51: {  	[tilespmem:v2+s13+$0xFFFFF010 ss:$0x1] =	vst.idx.msk $0xffff, v4  }
0x52: {  	v4 =	vld.idx.msk [tilespmem:v1+s13+$0x2010 ss:$0x1], $0xffff;
	_ =	sdelay $0x4  }
0x53: {  	v4 =	vadd.f32 v4, v3;
	_ =	sdelay $0x1  }
0x54: {  	[tilespmem:v2+s13+$0x10 ss:$0x1] =	vst.idx.msk $0xffff, v4  }
0x55: {  	v4 =	vld.idx.msk [tilespmem:v1+s13+$0x3010 ss:$0x1], $0xffff;
	_ =	sdelay $0x4  }
0x56: {  	v3 =	vadd.f32 v4, v3;
	_ =	sdelay $0x1  }
0x57: {  	[tilespmem:v2+s13+$0x1010 ss:$0x1] =	vst.idx.msk $0xffff, v3  }
0x58: {  	v3 =	vld.idx.msk [tilespmem:v0+s13+$0x20 ss:$0x1], $0xffff  }
0x59: {  	v58 =	vld.idx.msk [tilespmem:v1+s13+$0x20 ss:$0x1], $0xffff;
	_ =	sdelay $0x4  }
0x5a: {  	v4 =	vadd.f32 v58, v3;
	_ =	sdelay $0x1  }
0x5b: {  	[tilespmem:v2+s13+$0xFFFFE020 ss:$0x1] =	vst.idx.msk $0xffff, v4  }
0x5c: {  	v4 =	vld.idx.msk [tilespmem:v1+s13+$0x1020 ss:$0x1], $0xffff;
	_ =	sdelay $0x4  }
0x5d: {  	v4 =	vadd.f32 v4, v3;
	_ =	sdelay $0x1  }
0x5e: {  	[tilespmem:v2+s13+$0xFFFFF020 ss:$0x1] =	vst.idx.msk $0xffff, v4  }
0x5f: {  	v4 =	vld.idx.msk [tilespmem:v1+s13+$0x2020 ss:$0x1], $0xffff;
	_ =	sdelay $0x4  }
0x60: {  	v4 =	vadd.f32 v4, v3;
	_ =	sdelay $0x1  }
0x61: {  	[tilespmem:v2+s13+$0x20 ss:$0x1] =	vst.idx.msk $0xffff, v4  }
0x62: {  	v4 =	vld.idx.msk [tilespmem:v1+s13+$0x3020 ss:$0x1], $0xffff;
	_ =	sdelay $0x4  }
0x63: {  	v3 =	vadd.f32 v4, v3;
	_ =	sdelay $0x1  }
0x64: {  	[tilespmem:v2+s13+$0x1020 ss:$0x1] =	vst.idx.msk $0xffff, v3  }
0x65: {  	v3 =	vld.idx.msk [tilespmem:v0+s13+$0x30 ss:$0x1], $0xffff  }
0x66: {  	v59 =	vld.idx.msk [tilespmem:v1+s13+$0x30 ss:$0x1], $0xffff;
	_ =	sdelay $0x4  }
0x67: {  	v4 =	vadd.f32 v59, v3;
	_ =	sdelay $0x1  }
0x68: {  	[tilespmem:v2+s13+$0xFFFFE030 ss:$0x1] =	vst.idx.msk $0xffff, v4  }
0x69: {  	v4 =	vld.idx.msk [tilespmem:v1+s13+$0x1030 ss:$0x1], $0xffff;
	_ =	sdelay $0x4  }
0x6a: {  	v4 =	vadd.f32 v4, v3;
	_ =	sdelay $0x1  }
0x6b: {  	[tilespmem:v2+s13+$0xFFFFF030 ss:$0x1] =	vst.idx.msk $0xffff, v4  }
0x6c: {  	v4 =	vld.idx.msk [tilespmem:v1+s13+$0x2030 ss:$0x1], $0xffff;
	_ =	sdelay $0x4  }
0x6d: {  	v4 =	vadd.f32 v4, v3;
	_ =	sdelay $0x1  }
0x6e: {  	[tilespmem:v2+s13+$0x30 ss:$0x1] =	vst.idx.msk $0xffff, v4  }
0x6f: {  	v4 =	vld.idx.msk [tilespmem:v1+s13+$0x3030 ss:$0x1], $0xffff;
	_ =	sdelay $0x4  }
0x70: {  	v3 =	vadd.f32 v4, v3;
	_ =	sdelay $0x1  }
0x71: {  	[tilespmem:v2+s13+$0x1030 ss:$0x1] =	vst.idx.msk $0xffff, v3  }
0x72: {  	v3 =	vld.idx.msk [tilespmem:v0+s13+$0x40 ss:$0x1], $0xffff  }
0x73: {  	v60 =	vld.idx.msk [tilespmem:v1+s13+$0x40 ss:$0x1], $0xffff;
	_ =	sdelay $0x4  }
0x74: {  	v4 =	vadd.f32 v60, v3;
	_ =	sdelay $0x1  }
0x75: {  	[tilespmem:v2+s13+$0xFFFFE040 ss:$0x1] =	vst.idx.msk $0xffff, v4  }
0x76: {  	v4 =	vld.idx.msk [tilespmem:v1+s13+$0x1040 ss:$0x1], $0xffff;
	_ =	sdelay $0x4  }
0x77: {  	v4 =	vadd.f32 v4, v3;
	_ =	sdelay $0x1  }
0x78: {  	[tilespmem:v2+s13+$0xFFFFF040 ss:$0x1] =	vst.idx.msk $0xffff, v4  }
0x79: {  	v4 =	vld.idx.msk [tilespmem:v1+s13+$0x2040 ss:$0x1], $0xffff;
	_ =	sdelay $0x4  }
0x7a: {  	v4 =	vadd.f32 v4, v3;
	_ =	sdelay $0x1  }
0x7b: {  	[tilespmem:v2+s13+$0x40 ss:$0x1] =	vst.idx.msk $0xffff, v4  }
0x7c: {  	v4 =	vld.idx.msk [tilespmem:v1+s13+$0x3040 ss:$0x1], $0xffff;
	_ =	sdelay $0x4  }
0x7d: {  	v3 =	vadd.f32 v4, v3;
	_ =	sdelay $0x1  }
0x7e: {  	[tilespmem:v2+s13+$0x1040 ss:$0x1] =	vst.idx.msk $0xffff, v3  }
0x7f: {  	v3 =	vld.idx.msk [tilespmem:v0+s13+$0x50 ss:$0x1], $0xffff  }
0x80: {  	v61 =	vld.idx.msk [tilespmem:v1+s13+$0x50 ss:$0x1], $0xffff;
	_ =	sdelay $0x4  }
0x81: {  	v4 =	vadd.f32 v61, v3;
	_ =	sdelay $0x1  }
0x82: {  	[tilespmem:v2+s13+$0xFFFFE050 ss:$0x1] =	vst.idx.msk $0xffff, v4  }
0x83: {  	v4 =	vld.idx.msk [tilespmem:v1+s13+$0x1050 ss:$0x1], $0xffff;
	_ =	sdelay $0x4  }
0x84: {  	v4 =	vadd.f32 v4, v3;
	_ =	sdelay $0x1  }
0x85: {  	[tilespmem:v2+s13+$0xFFFFF050 ss:$0x1] =	vst.idx.msk $0xffff, v4  }
0x86: {  	v4 =	vld.idx.msk [tilespmem:v1+s13+$0x2050 ss:$0x1], $0xffff;
	_ =	sdelay $0x4  }
0x87: {  	v4 =	vadd.f32 v4, v3;
	_ =	sdelay $0x1  }
0x88: {  	[tilespmem:v2+s13+$0x50 ss:$0x1] =	vst.idx.msk $0xffff, v4  }
0x89: {  	v4 =	vld.idx.msk [tilespmem:v1+s13+$0x3050 ss:$0x1], $0xffff;
	_ =	sdelay $0x4  }
0x8a: {  	v3 =	vadd.f32 v4, v3;
	_ =	sdelay $0x1  }
0x8b: {  	[tilespmem:v2+s13+$0x1050 ss:$0x1] =	vst.idx.msk $0xffff, v3  }
0x8c: {  	v3 =	vld.idx.msk [tilespmem:v0+s13+$0x60 ss:$0x1], $0xffff  }
0x8d: {  	v62 =	vld.idx.msk [tilespmem:v1+s13+$0x60 ss:$0x1], $0xffff;
	_ =	sdelay $0x4  }
0x8e: {  	v4 =	vadd.f32 v62, v3;
	_ =	sdelay $0x1  }
0x8f: {  	[tilespmem:v2+s13+$0xFFFFE060 ss:$0x1] =	vst.idx.msk $0xffff, v4  }
0x90: {  	v4 =	vld.idx.msk [tilespmem:v1+s13+$0x1060 ss:$0x1], $0xffff;
	_ =	sdelay $0x4  }
0x91: {  	v4 =	vadd.f32 v4, v3;
	_ =	sdelay $0x1  }
0x92: {  	[tilespmem:v2+s13+$0xFFFFF060 ss:$0x1] =	vst.idx.msk $0xffff, v4  }
0x93: {  	v4 =	vld.idx.msk [tilespmem:v1+s13+$0x2060 ss:$0x1], $0xffff;
	_ =	sdelay $0x4  }
0x94: {  	v4 =	vadd.f32 v4, v3;
	_ =	sdelay $0x1  }
0x95: {  	[tilespmem:v2+s13+$0x60 ss:$0x1] =	vst.idx.msk $0xffff, v4  }
0x96: {  	v4 =	vld.idx.msk [tilespmem:v1+s13+$0x3060 ss:$0x1], $0xffff;
	_ =	sdelay $0x4  }
0x97: {  	v3 =	vadd.f32 v4, v3;
	_ =	sdelay $0x1  }
0x98: {  	[tilespmem:v2+s13+$0x1060 ss:$0x1] =	vst.idx.msk $0xffff, v3  }
0x99: {  	v3 =	vld.idx.msk [tilespmem:v0+s13+$0x70 ss:$0x1], $0xffff  }
0x9a: {  	v63 =	vld.idx.msk [tilespmem:v1+s13+$0x70 ss:$0x1], $0xffff;
	_ =	sdelay $0x4  }
0x9b: {  	v4 =	vadd.f32 v63, v3;
	_ =	sdelay $0x1  }
0x9c: {  	[tilespmem:v2+s13+$0xFFFFE070 ss:$0x1] =	vst.idx.msk $0xffff, v4  }
0x9d: {  	v4 =	vld.idx.msk [tilespmem:v1+s13+$0x1070 ss:$0x1], $0xffff;
	_ =	sdelay $0x4  }
0x9e: {  	v4 =	vadd.f32 v4, v3;
	_ =	sdelay $0x1  }
0x9f: {  	[tilespmem:v2+s13+$0xFFFFF070 ss:$0x1] =	vst.idx.msk $0xffff, v4  }
0xa0: {  	v4 =	vld.idx.msk [tilespmem:v1+s13+$0x2070 ss:$0x1], $0xffff;
	_ =	sdelay $0x4  }
0xa1: {  	v4 =	vadd.f32 v4, v3;
	_ =	sdelay $0x1  }
0xa2: {  	[tilespmem:v2+s13+$0x70 ss:$0x1] =	vst.idx.msk $0xffff, v4  }
0xa3: {  	v4 =	vld.idx.msk [tilespmem:v1+s13+$0x3070 ss:$0x1], $0xffff;
	_ =	sdelay $0x1  }
0xa4: {  	p1 =	sne.s32 s9, $0x3800  }
.Ltmp0:
0xa5: {  	_ = 	snop;
	(pc) =	sbr.rel @p1 .LBB2_4-.Ltmp0, $3  }
0xa6: {  	_ = 	snop  }
0xa7: {  	v3 =	vadd.f32 v4, v3;
	_ =	sdelay $0x1  }
0xa8: {  	s9 =	sadd.s32 $0x800, s9;
	[tilespmem:v2+s13+$0x1070 ss:$0x1] =	vst.idx.msk $0xffff, v3  }
0xa9: {  	s7 =	sadd.s32 $0x1, s7  }
0xaa: {  	p1 =	sne.s32 s7, $0x4  }
.Ltmp1:
0xab: {  	_ = 	snop;
	(pc) =	sbr.rel @p1 .LBB2_3-.Ltmp1, $2  }
0xac: {  	_ =	sdelay $0x2  }
0xad: {  	s18 =	sadd.s32 $0x80, s18;
	s16 =	sadd.s32 $0x80, s16;
	s14 =	sadd.s32 $0x80, s14  }
0xae: {  	p1 =	sne.s32 s30, s29  }
0xaf: {  	p0 =	por p0, p1  }
0xb0: {  	s0 =	sshll.u32 @p0 s0, $0xC;
	s7 =	sshll.u32 @p0 s30, $0x9  }
0xb1: {  	s0 =	sand.u32 @p0 $0xFFFFE000, s0;
	s7 =	sand.u32 @p0 $0x200, s7  }
0xb2: {  	_ =	strace $0x9000004D;
	s0 =	sor.u32 @p0 s7, s0  }
0xb3: {  	_ =	strace @p0 $0x8000004E;
	s5 =	sadd.s32 @p0 $0x5, s5;
	s0 =	sshrl.u32 @p0 s0, $0x3  }
0xb4: {  	s9 =	simm.s32 @p0 $0x400;
	s7 =	simm.s32 @p0 $0x200;
	s0 =	sadd.s32 @p0 s3, s0  }
0xb5: {  	[hbm4b:s0+s7] =	stream.strided.scatter @p0 [tilespmem:s12], [sflag:s5], $0x1000, s9, s7, $0x200038;
	[tilespmem:$0x12000] =	vst v63  }
0xb6: {  	s12 =	sadd.s32 @p0 $0xB000, s4;
	s13 =	sadd.s32 @p0 $0x80000, s0  }
0xb7: {  	[hbm4b:s13+s7] =	stream.strided.scatter @p0 [tilespmem:s12], [sflag:s5], $0x1000, s9, s7, $0x200038;
	[tilespmem:$0x12000] =	vst v63  }
0xb8: {  	s12 =	sadd.s32 @p0 $0xC000, s4;
	s13 =	sadd.s32 @p0 $0x100000, s0  }
0xb9: {  	[hbm4b:s13+s7] =	stream.strided.scatter @p0 [tilespmem:s12], [sflag:s5], $0x1000, s9, s7, $0x200038;
	[tilespmem:$0x12000] =	vst v63  }
0xba: {  	p1 =	seq.s32 s28, $0x0;
	s4 =	sadd.s32 @p0 $0xD000, s4;
	s0 =	sadd.s32 @p0 $0x180000, s0  }
0xbb: {  	[hbm4b:s0+s7] =	stream.strided.scatter @p0 [tilespmem:s4], [sflag:s5], $0x1000, s9, s7, $0x200038;
	[tilespmem:$0x12000] =	vst v63  }
0xbc: {  	s0 =	sand.u32 @!p1 $0x1, s21;
	_ =	strace @p0 $0x9000004E  }
0xbd: {  	s0 =	sadd.s32 @!p1 $0x5, s0;
	_ =	strace @!p1 $0x8000004F  }
0xbe: {  	s4 =	simm.s32 $0x1;
	_ =	swait.ge @!p1 [sflag:s0], $0x4000  }
0xbf: {  	s4 =	simm.s32 @!p0 $0x0;
	p0 =	sne.s32 s28, $0x0;
	[sflag:s0] =	ssyncset.done @!p1 $0x0  }
0xc0: {  	s28 =	sadd.s32 $0x1, s28;
	[sflag:s0] =	ssyncadd.s32 @!p1 $0xFFFFC000;
	s0 =	simm.s32 $0x1  }
0xc1: {  	s0 =	simm.s32 @!p0 $0x0;
	p0 =	sne.s32 s28, $0x20  }
.Ltmp2:
0xc2: {  	_ = 	snop;
	(pc) =	sbr.rel @p0 .LBB2_2-.Ltmp2, $4  }
0xc3: {  	_ = 	snop  }
0xc4: {  	s24 =	sadd.s32 s24, s31  }
0xc5: {  	s30 =	smov.u32 s29;
	s22 =	sadd.s32 s4, s22;
	s25 =	sadd.s32 s4, s25  }
0xc6: {  	s23 =	sadd.s32 s4, s23;
	_ =	strace @!p1 $0x9000004F;
	s21 =	sadd.s32 s0, s21  }
0xc7: {  	_ =	strace $0x80000050  }
0xc8: {  	_ =	swait.ge [sflag:s19], $0x4000  }
0xc9: {  	s20 =	sadd.s32 $0x1, s20;
	s0 =	rddreg [dreg:$0x5]  }
0xca: {  	p0 =	sne.s32 s20, s0  }
.Ltmp3:
0xcb: {  	_ = 	snop;
	(pc) =	sbr.rel @p0 .LBB2_1-.Ltmp3, $4  }
0xcc: {  	_ = 	snop  }
0xcd: {  	[sflag:s19] =	ssyncset.done $0x0  }
0xce: {  	[sflag:s19] =	ssyncadd.s32 $0xFFFFC000  }
0xcf: {  	_ =	strace $0x90000050  }
0xd0: {  	_ =	sfence.sel $0x180000  }
0xd1: {  	[bflag:$0x0] =	sbarrier.arrive $0xFFFF  }
0xd2: {  	_ =	strace $0x90000047  }
0xd3: {  	s0 =	stileid.u32;
	[bflag:$0x2] =	sbarrier.arrive $0xFFFF  }
0xd4: {  	p0 =	sne.s32 s0, $0x0;
	s0 =	rddreg [dreg:$0x3]  }
0xd5: {  	s0 =	sadd.s32 @!p0 $0x100000, s0  }
0xd6: {  	[sflag:s0] =	ssyncadd.tile.s32 @!p0 $0x1;
	_ =	shalt  }
.Lfunc_end2:
_tile_overlayer_lowered:
.L_overlay_start_2:
0xd7: {  	(tag) =	ssettag $0x2  }
0xd8: {  	s0 =	rddreg [dreg:$0x0];
	s2 =	stileid.u32  }
0xd9: {  	s1 =	rddreg [dreg:$0x1];
	p0 =	sne.s32 s2, $0x0  }
0xda: {  	s3 =	rddreg [dreg:$0x2];
	[bflag:$0x3] =	sbarrier.arrive $0xFFFF;
	s2 =	simm.s32 @!p0 $0x1C01  }
0xdb: {  	[timem:s3], [sflag:s2] =	dma.local @!p0 [hbm:s0], s1  }
0xdc: {  	s0 =	simm.s32 @!p0 $0x1  }
0xdd: {  	_ =	swait.ge @!p0 [sflag:s0], s1  }
0xde: {  	s1 =	ssub.s32 @!p0 $0x0, s1;
	[sflag:s0] =	ssyncset.done @!p0 $0x0  }
0xdf: {  	[sflag:s0] =	ssyncadd.s32 @!p0 s1  }
0xe0: {  	[bflag:$0x3] =	sbarrier.arrive $0xFFFF  }
0xe1: {  	_ =	shalt  }

</sc_bundles>
